<compile_context>
chip_gen: v7x
topology: tpu7x:2x2x1
jax: 0.10.2.dev20260603
libtpu: 0.0.44.dev20260713+nightly
codegen_flags: <defaults>
</compile_context>

<pallas_src>
import functools

import jax
import jax.numpy as jnp
from jax import lax
from jax.experimental import pallas as pl
from jax.experimental.pallas import tpu as pltpu
from jax.experimental.pallas import tpu_sc as plsc

N = 2048
DIM = 512
NS = 256
C = 16
KP1 = 12
BR = 256
NB = N // BR
BIGF = 3.0e38

_info = plsc.get_sparse_core_info()
_NC, _NSC, _L = _info.num_cores, _info.num_subcores, _info.num_lanes
NW = _NC * _NSC
RPW = N // NW
NCH = N // 16


def _a_body(fs_ref, ys_ref, fq_ref, dist_ref, a_ref, lam_ref, y_ref,
            q2_ref, q2t_ref):
    eye_b = (lax.broadcasted_iota(jnp.int32, (BR, BR), 0)
             == lax.broadcasted_iota(jnp.int32, (BR, BR), 1)).astype(jnp.float32)

    def q2_blk(bi, _):
        fq = fq_ref[pl.ds(bi * BR, BR), :]
        q2_ref[pl.ds(bi * BR, BR), :] = jnp.sum(fq * fq, axis=1, keepdims=True)
        return 0
    lax.fori_loop(0, NB, q2_blk, 0)

    def t_blk(bi, _):
        q2t_ref[:, pl.ds(bi * BR, BR)] = lax.dot_general(
            q2_ref[pl.ds(bi * BR, BR), :], eye_b, (((0,), (0,)), ((), ())),
            preferred_element_type=jnp.float32, precision=lax.Precision.HIGHEST)
        return 0
    lax.fori_loop(0, NB, t_blk, 0)

    cls_iota = lax.broadcasted_iota(jnp.int32, (C, NS), 0)
    onehot = (cls_iota == ys_ref[...]).astype(jnp.float32)
    counts = jnp.sum(onehot, axis=1, keepdims=True)
    protos = lax.dot_general(
        onehot, fs_ref[...], (((1,), (0,)), ((), ())),
        preferred_element_type=jnp.float32,
        precision=lax.Precision.HIGHEST) / counts

    p2 = jnp.sum(protos * protos, axis=1, keepdims=True)
    eye16 = (lax.broadcasted_iota(jnp.int32, (C, C), 0)
             == lax.broadcasted_iota(jnp.int32, (C, C), 1)).astype(jnp.float32)
    p2t = lax.dot_general(p2, eye16, (((0,), (0,)), ((), ())),
                          preferred_element_type=jnp.float32,
                          precision=lax.Precision.HIGHEST)
    pq = lax.dot_general(fq_ref[...], protos, (((1,), (1,)), ((), ())),
                         preferred_element_type=jnp.float32)
    d2p = jnp.maximum(q2_ref[...] + p2t - 2.0 * pq, 0.0)
    distp = jnp.sqrt(d2p + 1e-12)
    a_ref[...] = distp * distp
    d = jnp.min(distp, axis=1, keepdims=True)

    db = lax.bitcast_convert_type(d, jnp.int32)
    def med_step(_, c):
        lo, hi = c
        mid = lo + (hi - lo) // 2
        cnt = jnp.sum((db <= mid).astype(jnp.int32))
        take = cnt >= (N // 2)
        return jnp.where(take, lo, mid + 1), jnp.where(take, mid, hi)
    lo, _hi = lax.fori_loop(0, 31, med_step, (jnp.int32(0), jnp.int32(2**31 - 1)))
    med = lax.bitcast_convert_type(lo, jnp.float32)
    lam_ref[...] = jnp.exp(-(d * d) / (2.0 * med * med + 1e-8))

    na = -a_ref[...]
    mx = jnp.max(na, axis=1, keepdims=True)
    e = jnp.exp(na - mx)
    y_ref[...] = e / jnp.sum(e, axis=1, keepdims=True)

    def dist_blk(bi, _):
        fq = fq_ref[pl.ds(bi * BR, BR), :]
        g = lax.dot_general(fq, fq_ref[...], (((1,), (1,)), ((), ())),
                            preferred_element_type=jnp.float32)
        d2 = jnp.maximum(q2_ref[pl.ds(bi * BR, BR), :] + q2t_ref[...] - 2.0 * g, 0.0)
        dist_ref[pl.ds(bi * BR, BR), :] = jnp.sqrt(d2 + 1e-12)
        return 0
    lax.fori_loop(0, NB, dist_blk, 0)


def _sc_topk(dist):
    mesh = plsc.VectorSubcoreMesh(core_axis_name="c", subcore_axis_name="s")

    @functools.partial(
        pl.kernel, mesh=mesh,
        out_type=(jax.ShapeDtypeStruct((N * N,), jnp.float32),
                  jax.ShapeDtypeStruct((N * 16,), jnp.float32)),
        scratch_types=[
            pltpu.VMEM((8 * N,), jnp.float32),
            pltpu.VMEM((8 * N,), jnp.float32),
            pltpu.VMEM((NCH,), jnp.float32),
            pltpu.VMEM((8 * 16,), jnp.float32),
        ],
        compiler_params=pltpu.CompilerParams(needs_layout_passes=False),
    )
    def k(dist_hbm, wraw_hbm, sig_hbm, rows_v, lines_v, cm_v, sg_v):
        wid = lax.axis_index("s") * _NC + lax.axis_index("c")
        base = wid * RPW
        lane = lax.iota(jnp.int32, 16)
        lane0 = lane == 0
        zeros16 = jnp.zeros((16,), jnp.float32)
        big16 = jnp.full((16,), BIGF, jnp.float32)

        def batch_body(b, _):
            g0 = base + b * 8
            pltpu.sync_copy(dist_hbm.at[pl.ds(g0 * N, 8 * N)], rows_v)

            def zl(c, _):
                lines_v[pl.ds(c * 16, 16)] = zeros16
                return 0
            lax.fori_loop(0, 8 * NCH, zl, 0)

            def row_body(r8, _):
                ro = r8 * N

                def cmb(c, _):
                    v = rows_v[pl.ds(ro + c * 16, 16)]
                    mn = lax.reduce_min(v, axes=(0,))
                    plsc.store_scatter(cm_v, [jnp.broadcast_to(c, (16,))],
                                       jnp.broadcast_to(mn, (16,)), mask=lane0)
                    return 0
                lax.fori_loop(0, NCH, cmb, 0)

                def round_body(j, _):
                    def gm(cc, acc):
                        return jnp.minimum(acc, cm_v[pl.ds(cc * 16, 16)])
                    accv = lax.fori_loop(0, NCH // 16, gm, big16)
                    mval = lax.reduce_min(accv, axes=(0,))

                    def fc(cc, st):
                        slot, ln = st
                        eq = cm_v[pl.ds(cc * 16, 16)] == mval
                        cand = jnp.where(eq, lane, jnp.int32(16))
                        l_s = lax.reduce_min(cand, axes=(0,))
                        take = (slot < 0) & (l_s < 16)
                        return (jnp.where(take, cc, slot),
                                jnp.where(take, l_s, ln))
                    cslot, clane = lax.fori_loop(
                        0, NCH // 16, fc, (jnp.int32(-1), jnp.int32(0)))
                    ci = cslot * 16 + clane

                    gidx = jnp.broadcast_to(ro + ci * 16, (16,)) + lane
                    v = plsc.load_gather(rows_v, [gidx])
                    candl = jnp.where(v == mval, lane, jnp.int32(16))
                    el = lax.reduce_min(candl, axes=(0,))
                    col = ci * 16 + el

                    plsc.store_scatter(rows_v, [jnp.broadcast_to(ro + col, (16,))],
                                       big16, mask=lane0)
                    v2 = plsc.load_gather(rows_v, [gidx])
                    mn2 = lax.reduce_min(v2, axes=(0,))
                    plsc.store_scatter(cm_v, [jnp.broadcast_to(ci, (16,))],
                                       jnp.broadcast_to(mn2, (16,)), mask=lane0)

                    @pl.when(j > 0)
                    def _():
                        plsc.store_scatter(lines_v,
                                           [jnp.broadcast_to(ro + col, (16,))],
                                           jnp.broadcast_to(mval, (16,)),
                                           mask=lane0)
                    return jnp.broadcast_to(mval, (16,))
                last = lax.fori_loop(0, KP1, round_body, zeros16)

                sg_v[pl.ds(r8 * 16, 16)] = last + 1e-8
                return 0
            lax.fori_loop(0, 8, row_body, 0)

            pltpu.sync_copy(lines_v, wraw_hbm.at[pl.ds(g0 * N, 8 * N)])
            pltpu.sync_copy(sg_v, sig_hbm.at[pl.ds(g0 * 16, 8 * 16)])
            return 0
        lax.fori_loop(0, RPW // 8, batch_body, 0)

    return k(dist)


def _b_body(wraw_ref, sig_ref, a_ref, lam_ref, y0_ref, out_ref,
            wx_ref, sigt_ref, y_ref, coef_ref):
    eye_b = (lax.broadcasted_iota(jnp.int32, (BR, BR), 0)
             == lax.broadcasted_iota(jnp.int32, (BR, BR), 1)).astype(jnp.float32)

    def t_blk(bi, _):
        sigt_ref[:, pl.ds(bi * BR, BR)] = lax.dot_general(
            sig_ref[pl.ds(bi * BR, BR), :], eye_b, (((0,), (0,)), ((), ())),
            preferred_element_type=jnp.float32, precision=lax.Precision.HIGHEST)
        return 0
    lax.fori_loop(0, NB, t_blk, 0)

    y_ref[...] = y0_ref[...]

    def wexp_blk(bi, _):
        sl = pl.ds(bi * BR, BR)
        wv = wraw_ref[sl, :]
        sig = sig_ref[sl, :]
        wx_ref[sl, :] = jnp.where(wv > 0.0,
                                  jnp.exp(-wv / (sig * sigt_ref[...])), 0.0)
        return 0
    lax.fori_loop(0, NB, wexp_blk, 0)

    def w_bi(bi, _):
        def w_bj(bj, _):
            su = pl.ds(bi * BR, BR)
            sv = pl.ds(bj * BR, BR)
            blk_a = wx_ref[su, sv]
            blk_b = wx_ref[sv, su]
            w1 = (blk_a + jnp.transpose(blk_b)) / 2.0
            wx_ref[su, sv] = w1
            wx_ref[sv, su] = jnp.transpose(w1)
            return 0
        lax.fori_loop(bi, NB, w_bj, 0)
        return 0
    lax.fori_loop(0, NB, w_bi, 0)

    def coef_blk(bi, _):
        sl = pl.ds(bi * BR, BR)
        rs = jnp.sum(wx_ref[sl, :], axis=1, keepdims=True)
        d_inv = 1.0 / (rs + 1e-8)
        coef_ref[sl, :] = lam_ref[sl, :] * d_inv
        return 0
    lax.fori_loop(0, NB, coef_blk, 0)

    neg_a = -a_ref[...]
    coef = coef_ref[...]

    def lp_cond(c):
        i, stop = c
        return (i < 50) & jnp.logical_not(stop)

    def lp_body(c):
        i, stop = c
        y_old = y_ref[...]
        z = lax.dot_general(wx_ref[...], y_old, (((1,), (0,)), ((), ())),
                            preferred_element_type=jnp.float32)
        logits = neg_a + coef * z
        mxl = jnp.max(logits, axis=1, keepdims=True)
        el = jnp.exp(logits - mxl)
        y_new = el / jnp.sum(el, axis=1, keepdims=True)
        converged = jnp.max(jnp.abs(y_new - y_old)) < 1e-4

        @pl.when(jnp.logical_not(converged))
        def _():
            y_ref[...] = y_new
        return i + 1, converged

    lax.while_loop(lp_cond, lp_body, (jnp.int32(0), jnp.bool_(False)))

    y = y_ref[...]
    mxy = jnp.max(y, axis=1, keepdims=True)
    cols = lax.broadcasted_iota(jnp.int32, (N, C), 1)
    out_ref[...] = jnp.min(jnp.where(y == mxy, cols, C), axis=1, keepdims=True)


def kernel(feat_s, y_s, feat_q):
    ys2d = y_s.astype(jnp.int32).reshape(1, NS)

    dist, a, lam, y0 = pl.pallas_call(
        _a_body,
        out_shape=(jax.ShapeDtypeStruct((N, N), jnp.float32),
                   jax.ShapeDtypeStruct((N, C), jnp.float32),
                   jax.ShapeDtypeStruct((N, 1), jnp.float32),
                   jax.ShapeDtypeStruct((N, C), jnp.float32)),
        scratch_shapes=[
            pltpu.VMEM((N, 1), jnp.float32),
            pltpu.VMEM((1, N), jnp.float32),
        ],
    )(feat_s, ys2d, feat_q)

    wraw1d, sig1d = _sc_topk(dist.reshape(N * N))
    wraw = wraw1d.reshape(N, N)
    sig = sig1d.reshape(N, 16)[:, 0:1]

    out = pl.pallas_call(
        _b_body,
        out_shape=jax.ShapeDtypeStruct((N, 1), jnp.int32),
        scratch_shapes=[
            pltpu.VMEM((N, N), jnp.float32),
            pltpu.VMEM((1, N), jnp.float32),
            pltpu.VMEM((N, C), jnp.float32),
            pltpu.VMEM((N, 1), jnp.float32),
        ],
    )(wraw, sig, a, lam, y0)
    return out.reshape(N)

# --- scband reference (transcript-rebuilt; emitter-appended) ---
"""Pipeline reference for scband-stdalap-shot-33406255629074 (READ-ONLY COPY).

The authoritative reference and input builder live on the scoring server;
editing this copy changes nothing except your own understanding.
"""

import jax, jax.numpy as jnp
import numpy as np


def _cdist(a, b):
    a2 = jnp.sum(a * a, axis=1, keepdims=True)
    b2 = jnp.sum(b * b, axis=1)
    d2 = jnp.clip(a2 + b2 - 2.0 * (a @ b.T), 0.0)
    return jnp.sqrt(d2 + 1e-12)


def setup_inputs(seed: int = 0) -> dict:
    key = jax.random.key(seed)
    k1, k2, k3 = jax.random.split(key, 3)
    feat_s = jax.random.normal(k1, (256, 512), dtype=jnp.float32)
    y_s = jax.random.randint(k2, (256,), 0, 16)
    feat_q = jax.random.normal(k3, (2048, 512), dtype=jnp.float32)
    return {"feat_s": feat_s, "y_s": y_s, "feat_q": feat_q}


def reference(feat_s, y_s, feat_q):
    num_classes = 16
    sums = jax.ops.segment_sum(feat_s, y_s, num_segments=num_classes)
    counts = jax.ops.segment_sum(jnp.ones((feat_s.shape[0],), jnp.float32), y_s, num_segments=num_classes)
    prototypes = sums / counts[:, None]

    feat = feat_q
    n = feat.shape[0]
    k = max(1, int(np.log2(n)))

    # self-tuning affinity
    dist = _cdist(feat, feat)
    _, nn_idx = jax.lax.top_k(-dist, k + 1)  # smallest distances
    sigma = dist[jnp.arange(n), nn_idx[:, k]] + 1e-08
    nbrs = nn_idx[:, 1:]
    dg = jnp.take_along_axis(dist, nbrs, axis=1)
    w = jnp.exp(-dg / (sigma[:, None] * sigma[nbrs]))
    W = jnp.zeros((n, n), jnp.float32).at[jnp.arange(n)[:, None], nbrs].set(w)
    W = (W + W.T) / 2.0
    D_inv = 1.0 / (W.sum(axis=1) + 1e-08)

    # density-adaptive lambda (torch.median on even n returns lower middle)
    d = _cdist(feat, prototypes).min(axis=1)
    med = jnp.sort(d)[(n - 1) // 2]
    lam = jnp.exp(-(d ** 2) / (2.0 * med ** 2 + 1e-08))

    # MM iterations
    a = _cdist(feat, prototypes) ** 2
    y = jax.nn.softmax(-a, axis=1)

    def body(_, carry):
        y, done = carry
        y_new = jax.nn.softmax(-a + (lam * D_inv)[:, None] * (W @ y), axis=1)
        done_next = done | (jnp.max(jnp.abs(y_new - y)) < 1e-04)
        y_next = jnp.where(done_next, y, y_new)
        return (y_next, done_next)

    y, _ = jax.lax.fori_loop(0, 50, body, (y, jnp.array(False)))
    preds = jnp.argmax(y, axis=1)
    return preds

if __name__ == "__main__":
    import jax
    _d = setup_inputs()
    print(jax.jit(kernel)(*tuple(_d.values())))

</pallas_src>

<mosaic_0001>
#map = affine_map<(d0, d1) -> (0)>
module attributes {stable_mosaic.version = 14 : i64} {
  func.func @k(%arg0: i32, %arg1: i32, %arg2: memref<4194304xf32, #tpu.memory_space<hbm>>, %arg3: memref<4194304xf32, #tpu.memory_space<hbm>>, %arg4: memref<32768xf32, #tpu.memory_space<hbm>>, %arg5: memref<16384xf32, #tpu.memory_space<vmem>>, %arg6: memref<16384xf32, #tpu.memory_space<vmem>>, %arg7: memref<128xf32, #tpu.memory_space<vmem>>, %arg8: memref<128xf32, #tpu.memory_space<vmem>>) attributes {dimension_semantics = [#tpu.dimension_semantics<core_parallel>, #tpu.dimension_semantics<subcore_parallel>], iteration_bounds = array<i64: 2, 16>, scalar_prefetch = 0 : i64, scratch_operands = 4 : i64, tpu.core_type = #tpu.core_type<sc_vector_subcore>, window_params = [{transform_indices = #map}, {transform_indices = #map}, {transform_indices = #map}]} {
    %mul3A = arith.constant 2 : i32
    %mul3A_0 = arith.muli %arg1, %mul3A : i32
    %add3A = arith.addi %mul3A_0, %arg0 : i32
    %mul3A_1 = arith.constant 64 : i32
    %mul3A_2 = arith.muli %add3A, %mul3A_1 : i32
    %iota3A = tpu.iota {dimensions = array<i32: 0>} : vector<16xi32>
    %eq3A = arith.constant 0 : i32
    %eq3A_3 = vector.broadcast %eq3A : i32 to vector<16xi32>
    %eq3A_4 = arith.cmpi eq, %iota3A, %eq3A_3 : vector<16xi32>
    %broadcast_in_dim3A = arith.constant 0.000000e+00 : f32
    %broadcast_in_dim3A_5 = vector.broadcast %broadcast_in_dim3A : f32 to vector<16xf32>
    %broadcast_in_dim3A_6 = arith.constant 3.000000e+38 : f32
    %broadcast_in_dim3A_7 = vector.broadcast %broadcast_in_dim3A_6 : f32 to vector<16xf32>
    %scan3A = arith.constant 0 : i32
    %scan3A_8 = arith.constant 0 : i32
    %scan3A_9 = arith.constant 8 : i32
    %scan3A_10 = arith.addi %scan3A_8, %scan3A_9 : i32
    %scan3A_11 = arith.constant 1 : i32
    %scan3A_12 = scf.for %scan3A_14 = %scan3A_8 to %scan3A_10 step %scan3A_11 iter_args(%scan3A_15 = %scan3A) -> (i32)  : i32 {
      %mul3A_16 = arith.constant 8 : i32
      %mul3A_17 = arith.muli %scan3A_14, %mul3A_16 : i32
      %add3A_18 = arith.addi %mul3A_2, %mul3A_17 : i32
      %mul3A_19 = arith.constant 2048 : i32
      %mul3A_20 = arith.muli %add3A_18, %mul3A_19 : i32
      "tpu.region"() ({
        %run_scoped3A = tpu.sem_alloc : memref<!tpu.dma_semaphore, #tpu.memory_space<semaphore_mem>>
        %dma_start3A = tpu.memref_slice %arg2[%mul3A_20] : memref<4194304xf32, #tpu.memory_space<hbm>> -> memref<16384xf32, #tpu.memory_space<hbm>>
        %dma_start3A_40 = tpu.memref_slice %arg2[%mul3A_20] : memref<4194304xf32, #tpu.memory_space<hbm>> -> memref<16384xf32, #tpu.memory_space<hbm>>
        tpu.enqueue_dma source(%dma_start3A_40 : memref<16384xf32, #tpu.memory_space<hbm>>) target(%arg5 : memref<16384xf32, #tpu.memory_space<vmem>>) target_semaphore(%run_scoped3A : memref<!tpu.dma_semaphore, #tpu.memory_space<semaphore_mem>>)
        %dma_wait3A = tpu.memref_slice %arg2[%mul3A_20] : memref<4194304xf32, #tpu.memory_space<hbm>> -> memref<16384xf32, #tpu.memory_space<hbm>>
        %dma_wait3A_41 = tpu.memref_slice %arg2[%mul3A_20] : memref<4194304xf32, #tpu.memory_space<hbm>> -> memref<16384xf32, #tpu.memory_space<hbm>>
        tpu.wait_dma2 semaphore(%run_scoped3A : memref<!tpu.dma_semaphore, #tpu.memory_space<semaphore_mem>>) src(%dma_wait3A_41 : memref<16384xf32, #tpu.memory_space<hbm>>) dst(%arg5 : memref<16384xf32, #tpu.memory_space<vmem>>)
        tpu.yield
      }) : () -> ()
      %scan3A_21 = arith.constant 0 : i32
      %scan3A_22 = arith.constant 0 : i32
      %scan3A_23 = arith.constant 1024 : i32
      %scan3A_24 = arith.addi %scan3A_22, %scan3A_23 : i32
      %scan3A_25 = arith.constant 1 : i32
      %scan3A_26 = scf.for %scan3A_40 = %scan3A_22 to %scan3A_24 step %scan3A_25 iter_args(%scan3A_41 = %scan3A_21) -> (i32)  : i32 {
        %mul3A_42 = arith.constant 16 : i32
        %mul3A_43 = arith.muli %scan3A_40, %mul3A_42 : i32
        %swap3A = arith.index_cast %mul3A_43 : i32 to index
        %swap3A_44 = tpu.vector_load %arg6[%swap3A] {strides = array<i32>} : memref<16384xf32, #tpu.memory_space<vmem>>, vector<16xf32>,
        tpu.vector_store %arg6[%swap3A], %broadcast_in_dim3A_5 {strides = array<i32>} : memref<16384xf32, #tpu.memory_space<vmem>>, vector<16xf32>,
        %scan3A_45 = arith.constant 0 : i32
        scf.yield %scan3A_45 : i32
      }
      %scan3A_27 = arith.constant 1024 : i32
      %scan3A_28 = arith.constant 0 : i32
      %scan3A_29 = arith.constant 0 : i32
      %scan3A_30 = arith.constant 8 : i32
      %scan3A_31 = arith.addi %scan3A_29, %scan3A_30 : i32
      %scan3A_32 = arith.constant 1 : i32
      %scan3A_33 = scf.for %scan3A_40 = %scan3A_29 to %scan3A_31 step %scan3A_32 iter_args(%scan3A_41 = %scan3A_28) -> (i32)  : i32 {
        %mul3A_42 = arith.constant 2048 : i32
        %mul3A_43 = arith.muli %scan3A_40, %mul3A_42 : i32
        %scan3A_44 = arith.constant 0 : i32
        %scan3A_45 = arith.constant 0 : i32
        %scan3A_46 = arith.constant 128 : i32
        %scan3A_47 = arith.addi %scan3A_45, %scan3A_46 : i32
        %scan3A_48 = arith.constant 1 : i32
        %scan3A_49 = scf.for %scan3A_64 = %scan3A_45 to %scan3A_47 step %scan3A_48 iter_args(%scan3A_65 = %scan3A_44) -> (i32)  : i32 {
          %mul3A_66 = arith.constant 16 : i32
          %mul3A_67 = arith.muli %scan3A_64, %mul3A_66 : i32
          %add3A_68 = arith.addi %mul3A_43, %mul3A_67 : i32
          %get3A = arith.index_cast %add3A_68 : i32 to index
          %get3A_69 = tpu.vector_load %arg5[%get3A] {strides = array<i32>} : memref<16384xf32, #tpu.memory_space<vmem>>, vector<16xf32>,
          %reduce_min3A = arith.constant true
          %reduce_min3A_70 = vector.broadcast %reduce_min3A : i1 to vector<16xi1>
          %reduce_min3A_71 = tpu.scan <min>, %get3A_69 masked %reduce_min3A_70 : vector<16xf32>, vector<16xi1> -> vector<16xf32>
          %reduce_min3A_72 = vector.extract %reduce_min3A_71[15] : f32 from vector<16xf32>
          %broadcast_in_dim3A_73 = vector.broadcast %scan3A_64 : i32 to vector<16xi32>
          %broadcast_in_dim3A_74 = vector.broadcast %reduce_min3A_72 : f32 to vector<16xf32>
          tpu.vector_store_idx %arg7[%broadcast_in_dim3A_73], %broadcast_in_dim3A_74 masked %eq3A_4 : memref<128xf32, #tpu.memory_space<vmem>>[vector<16xi32>], vector<16xf32>, vector<16xi1>
          %scan3A_75 = arith.constant 0 : i32
          scf.yield %scan3A_75 : i32
        }
        %scan3A_50 = arith.constant 128 : i32
        %scan3A_51 = arith.constant 0 : i32
        %scan3A_52 = arith.constant 12 : i32
        %scan3A_53 = arith.addi %scan3A_51, %scan3A_52 : i32
        %scan3A_54 = arith.constant 1 : i32
        %scan3A_55 = scf.for %scan3A_64 = %scan3A_51 to %scan3A_53 step %scan3A_54 iter_args(%scan3A_65 = %broadcast_in_dim3A_5) -> (vector<16xf32>)  : i32 {
          %scan3A_66 = arith.constant 0 : i32
          %scan3A_67 = arith.constant 8 : i32
          %scan3A_68 = arith.addi %scan3A_66, %scan3A_67 : i32
          %scan3A_69 = arith.constant 1 : i32
          %scan3A_70 = scf.for %scan3A_117 = %scan3A_66 to %scan3A_68 step %scan3A_69 iter_args(%scan3A_118 = %broadcast_in_dim3A_7) -> (vector<16xf32>)  : i32 {
            %mul3A_119 = arith.constant 16 : i32
            %mul3A_120 = arith.muli %scan3A_117, %mul3A_119 : i32
            %get3A = arith.index_cast %mul3A_120 : i32 to index
            %get3A_121 = tpu.vector_load %arg7[%get3A] {strides = array<i32>} : memref<128xf32, #tpu.memory_space<vmem>>, vector<16xf32>,
            %min3A = arith.minimumf %scan3A_118, %get3A_121 : vector<16xf32>
            scf.yield %min3A : vector<16xf32>
          }
          %scan3A_71 = arith.constant 8 : i32
          %reduce_min3A = arith.constant true
          %reduce_min3A_72 = vector.broadcast %reduce_min3A : i1 to vector<16xi1>
          %reduce_min3A_73 = tpu.scan <min>, %scan3A_70 masked %reduce_min3A_72 : vector<16xf32>, vector<16xi1> -> vector<16xf32>
          %reduce_min3A_74 = vector.extract %reduce_min3A_73[15] : f32 from vector<16xf32>
          %scan3A_75 = arith.constant -1 : i32
          %scan3A_76 = arith.constant 0 : i32
          %scan3A_77 = arith.constant 0 : i32
          %scan3A_78 = arith.constant 8 : i32
          %scan3A_79 = arith.addi %scan3A_77, %scan3A_78 : i32
          %scan3A_80 = arith.constant 1 : i32
          %scan3A_81:2 = scf.for %scan3A_117 = %scan3A_77 to %scan3A_79 step %scan3A_80 iter_args(%scan3A_118 = %scan3A_75, %scan3A_119 = %scan3A_76) -> (i32, i32)  : i32 {
            %mul3A_120 = arith.constant 16 : i32
            %mul3A_121 = arith.muli %scan3A_117, %mul3A_120 : i32
            %get3A = arith.index_cast %mul3A_121 : i32 to index
            %get3A_122 = tpu.vector_load %arg7[%get3A] {strides = array<i32>} : memref<128xf32, #tpu.memory_space<vmem>>, vector<16xf32>,
            %eq3A_123 = vector.broadcast %reduce_min3A_74 : f32 to vector<16xf32>
            %eq3A_124 = arith.cmpf oeq, %get3A_122, %eq3A_123 : vector<16xf32>
            %jit3A_125 = arith.constant 16 : i32
            %broadcast_in_dim3A_126 = vector.broadcast %jit3A_125 : i32 to vector<16xi32>
            %select_n3A_127 = arith.select %eq3A_124, %iota3A, %broadcast_in_dim3A_126 : vector<16xi1>, vector<16xi32>
            %reduce_min3A_128 = arith.constant true
            %reduce_min3A_129 = vector.broadcast %reduce_min3A_128 : i1 to vector<16xi1>
            %reduce_min3A_130 = arith.constant -2147483648 : i32
            %reduce_min3A_131 = vector.broadcast %reduce_min3A_130 : i32 to vector<16xi32>
            %reduce_min3A_132 = arith.xori %select_n3A_127, %reduce_min3A_131 : vector<16xi32>
            %reduce_min3A_133 = tpu.scan <min>, %reduce_min3A_132 masked %reduce_min3A_129 : vector<16xi32>, vector<16xi1> -> vector<16xi32>
            %reduce_min3A_134 = arith.xori %reduce_min3A_133, %reduce_min3A_131 : vector<16xi32>
            %reduce_min3A_135 = vector.extract %reduce_min3A_134[15] : i32 from vector<16xi32>
            %lt3A = arith.constant 0 : i32
            %lt3A_136 = arith.cmpi slt, %scan3A_118, %lt3A : i32
            %lt3A_137 = arith.constant 16 : i32
            %lt3A_138 = arith.cmpi slt, %reduce_min3A_135, %lt3A_137 : i32
            %and3A = arith.andi %lt3A_136, %lt3A_138 : i1
            %select_n3A_139 = arith.select %and3A, %scan3A_117, %scan3A_118 : i32
            %select_n3A_140 = arith.select %and3A, %reduce_min3A_135, %scan3A_119 : i32
            scf.yield %select_n3A_139, %select_n3A_140 : i32, i32
          }
          %scan3A_82 = arith.constant 8 : i32
          %mul3A_83 = arith.constant 16 : i32
          %mul3A_84 = arith.muli %scan3A_81#0, %mul3A_83 : i32
          %add3A_85 = arith.addi %mul3A_84, %scan3A_81#1 : i32
          %mul3A_86 = arith.constant 16 : i32
          %mul3A_87 = arith.muli %add3A_85, %mul3A_86 : i32
          %add3A_88 = arith.addi %mul3A_43, %mul3A_87 : i32
          %broadcast_in_dim3A_89 = vector.broadcast %add3A_88 : i32 to vector<16xi32>
          %add3A_90 = arith.addi %broadcast_in_dim3A_89, %iota3A : vector<16xi32>
          %gather3A = tpu.vector_load_idx %arg5[%add3A_90] : memref<16384xf32, #tpu.memory_space<vmem>>[vector<16xi32>], vector<16xf32>,
          %eq3A_91 = vector.broadcast %reduce_min3A_74 : f32 to vector<16xf32>
          %eq3A_92 = arith.cmpf oeq, %gather3A, %eq3A_91 : vector<16xf32>
          %jit3A = arith.constant 16 : i32
          %broadcast_in_dim3A_93 = vector.broadcast %jit3A : i32 to vector<16xi32>
          %select_n3A = arith.select %eq3A_92, %iota3A, %broadcast_in_dim3A_93 : vector<16xi1>, vector<16xi32>
          %reduce_min3A_94 = arith.constant true
          %reduce_min3A_95 = vector.broadcast %reduce_min3A_94 : i1 to vector<16xi1>
          %reduce_min3A_96 = arith.constant -2147483648 : i32
          %reduce_min3A_97 = vector.broadcast %reduce_min3A_96 : i32 to vector<16xi32>
          %reduce_min3A_98 = arith.xori %select_n3A, %reduce_min3A_97 : vector<16xi32>
          %reduce_min3A_99 = tpu.scan <min>, %reduce_min3A_98 masked %reduce_min3A_95 : vector<16xi32>, vector<16xi1> -> vector<16xi32>
          %reduce_min3A_100 = arith.xori %reduce_min3A_99, %reduce_min3A_97 : vector<16xi32>
          %reduce_min3A_101 = vector.extract %reduce_min3A_100[15] : i32 from vector<16xi32>
          %mul3A_102 = arith.constant 16 : i32
          %mul3A_103 = arith.muli %add3A_85, %mul3A_102 : i32
          %add3A_104 = arith.addi %mul3A_103, %reduce_min3A_101 : i32
          %add3A_105 = arith.addi %mul3A_43, %add3A_104 : i32
          %broadcast_in_dim3A_106 = vector.broadcast %add3A_105 : i32 to vector<16xi32>
          tpu.vector_store_idx %arg5[%broadcast_in_dim3A_106], %broadcast_in_dim3A_7 masked %eq3A_4 : memref<16384xf32, #tpu.memory_space<vmem>>[vector<16xi32>], vector<16xf32>, vector<16xi1>
          %gather3A_107 = tpu.vector_load_idx %arg5[%add3A_90] : memref<16384xf32, #tpu.memory_space<vmem>>[vector<16xi32>], vector<16xf32>,
          %reduce_min3A_108 = arith.constant true
          %reduce_min3A_109 = vector.broadcast %reduce_min3A_108 : i1 to vector<16xi1>
          %reduce_min3A_110 = tpu.scan <min>, %gather3A_107 masked %reduce_min3A_109 : vector<16xf32>, vector<16xi1> -> vector<16xf32>
          %reduce_min3A_111 = vector.extract %reduce_min3A_110[15] : f32 from vector<16xf32>
          %broadcast_in_dim3A_112 = vector.broadcast %add3A_85 : i32 to vector<16xi32>
          %broadcast_in_dim3A_113 = vector.broadcast %reduce_min3A_111 : f32 to vector<16xf32>
          tpu.vector_store_idx %arg7[%broadcast_in_dim3A_112], %broadcast_in_dim3A_113 masked %eq3A_4 : memref<128xf32, #tpu.memory_space<vmem>>[vector<16xi32>], vector<16xf32>, vector<16xi1>
          %gt3A = arith.constant 0 : i32
          %gt3A_114 = arith.cmpi sgt, %scan3A_64, %gt3A : i32
          %convert_element_type3A = arith.extui %gt3A_114 : i1 to i32
          %cond3A = arith.constant 0 : i32
          %cond3A_115 = arith.cmpi ne, %convert_element_type3A, %cond3A : i32
          scf.if %cond3A_115 {
            %add3A_117 = arith.addi %mul3A_43, %add3A_104 : i32
            %broadcast_in_dim3A_118 = vector.broadcast %add3A_117 : i32 to vector<16xi32>
            %broadcast_in_dim3A_119 = vector.broadcast %reduce_min3A_74 : f32 to vector<16xf32>
            tpu.vector_store_idx %arg6[%broadcast_in_dim3A_118], %broadcast_in_dim3A_119 masked %eq3A_4 : memref<16384xf32, #tpu.memory_space<vmem>>[vector<16xi32>], vector<16xf32>, vector<16xi1>
          } else {
          }
          %broadcast_in_dim3A_116 = vector.broadcast %reduce_min3A_74 : f32 to vector<16xf32>
          scf.yield %broadcast_in_dim3A_116 : vector<16xf32>
        }
        %scan3A_56 = arith.constant 12 : i32
        %add3A_57 = arith.constant 9.99999993E-9 : f32
        %add3A_58 = vector.broadcast %add3A_57 : f32 to vector<16xf32>
        %add3A_59 = arith.addf %scan3A_55, %add3A_58 : vector<16xf32>
        %mul3A_60 = arith.constant 16 : i32
        %mul3A_61 = arith.muli %scan3A_40, %mul3A_60 : i32
        %swap3A = arith.index_cast %mul3A_61 : i32 to index
        %swap3A_62 = tpu.vector_load %arg8[%swap3A] {strides = array<i32>} : memref<128xf32, #tpu.memory_space<vmem>>, vector<16xf32>,
        tpu.vector_store %arg8[%swap3A], %add3A_59 {strides = array<i32>} : memref<128xf32, #tpu.memory_space<vmem>>, vector<16xf32>,
        %scan3A_63 = arith.constant 0 : i32
        scf.yield %scan3A_63 : i32
      }
      %scan3A_34 = arith.constant 8 : i32
      %mul3A_35 = arith.constant 2048 : i32
      %mul3A_36 = arith.muli %add3A_18, %mul3A_35 : i32
      "tpu.region"() ({
        %run_scoped3A = tpu.sem_alloc : memref<!tpu.dma_semaphore, #tpu.memory_space<semaphore_mem>>
        %dma_start3A = tpu.memref_slice %arg3[%mul3A_36] : memref<4194304xf32, #tpu.memory_space<hbm>> -> memref<16384xf32, #tpu.memory_space<hbm>>
        %dma_start3A_40 = tpu.memref_slice %arg3[%mul3A_36] : memref<4194304xf32, #tpu.memory_space<hbm>> -> memref<16384xf32, #tpu.memory_space<hbm>>
        tpu.enqueue_dma source(%arg6 : memref<16384xf32, #tpu.memory_space<vmem>>) target(%dma_start3A_40 : memref<16384xf32, #tpu.memory_space<hbm>>) target_semaphore(%run_scoped3A : memref<!tpu.dma_semaphore, #tpu.memory_space<semaphore_mem>>)
        %dma_wait3A = tpu.memref_slice %arg3[%mul3A_36] : memref<4194304xf32, #tpu.memory_space<hbm>> -> memref<16384xf32, #tpu.memory_space<hbm>>
        %dma_wait3A_41 = tpu.memref_slice %arg3[%mul3A_36] : memref<4194304xf32, #tpu.memory_space<hbm>> -> memref<16384xf32, #tpu.memory_space<hbm>>
        tpu.wait_dma2 semaphore(%run_scoped3A : memref<!tpu.dma_semaphore, #tpu.memory_space<semaphore_mem>>) src(%arg6 : memref<16384xf32, #tpu.memory_space<vmem>>) dst(%dma_wait3A_41 : memref<16384xf32, #tpu.memory_space<hbm>>)
        tpu.yield
      }) : () -> ()
      %mul3A_37 = arith.constant 16 : i32
      %mul3A_38 = arith.muli %add3A_18, %mul3A_37 : i32
      "tpu.region"() ({
        %run_scoped3A = tpu.sem_alloc : memref<!tpu.dma_semaphore, #tpu.memory_space<semaphore_mem>>
        %dma_start3A = tpu.memref_slice %arg4[%mul3A_38] : memref<32768xf32, #tpu.memory_space<hbm>> -> memref<128xf32, #tpu.memory_space<hbm>>
        %dma_start3A_40 = tpu.memref_slice %arg4[%mul3A_38] : memref<32768xf32, #tpu.memory_space<hbm>> -> memref<128xf32, #tpu.memory_space<hbm>>
        tpu.enqueue_dma source(%arg8 : memref<128xf32, #tpu.memory_space<vmem>>) target(%dma_start3A_40 : memref<128xf32, #tpu.memory_space<hbm>>) target_semaphore(%run_scoped3A : memref<!tpu.dma_semaphore, #tpu.memory_space<semaphore_mem>>)
        %dma_wait3A = tpu.memref_slice %arg4[%mul3A_38] : memref<32768xf32, #tpu.memory_space<hbm>> -> memref<128xf32, #tpu.memory_space<hbm>>
        %dma_wait3A_41 = tpu.memref_slice %arg4[%mul3A_38] : memref<32768xf32, #tpu.memory_space<hbm>> -> memref<128xf32, #tpu.memory_space<hbm>>
        tpu.wait_dma2 semaphore(%run_scoped3A : memref<!tpu.dma_semaphore, #tpu.memory_space<semaphore_mem>>) src(%arg8 : memref<128xf32, #tpu.memory_space<vmem>>) dst(%dma_wait3A_41 : memref<128xf32, #tpu.memory_space<hbm>>)
        tpu.yield
      }) : () -> ()
      %scan3A_39 = arith.constant 0 : i32
      scf.yield %scan3A_39 : i32
    }
    %scan3A_13 = arith.constant 8 : i32
    return
  }
}

module attributes {stable_mosaic.version = 14 : i64} {
  func.func @_a_body(%arg0: memref<256x512xf32, #tpu.memory_space<vmem>>, %arg1: memref<1x256xi32, #tpu.memory_space<vmem>>, %arg2: memref<2048x512xf32, #tpu.memory_space<vmem>>, %arg3: memref<2048x2048xf32, #tpu.memory_space<vmem>>, %arg4: memref<2048x16xf32, #tpu.memory_space<vmem>>, %arg5: memref<2048x1xf32, #tpu.memory_space<vmem>>, %arg6: memref<2048x16xf32, #tpu.memory_space<vmem>>, %arg7: memref<2048x1xf32, #tpu.memory_space<vmem>>, %arg8: memref<1x2048xf32, #tpu.memory_space<vmem>>) attributes {dimension_semantics = [], scalar_prefetch = 0 : i64, scratch_operands = 2 : i64, tpu.core_type = #tpu.core_type<tc>} {
    %iota3A = tpu.iota {dimensions = array<i32: 0>} : vector<256x256xi32>
    %iota3A_0 = tpu.iota {dimensions = array<i32: 1>} : vector<256x256xi32>
    %eq3A = arith.cmpi eq, %iota3A, %iota3A_0 : vector<256x256xi32>
    %convert_element_type3A = arith.extui %eq3A : vector<256x256xi1> to vector<256x256xi32>
    %convert_element_type3A_1 = arith.sitofp %convert_element_type3A : vector<256x256xi32> to vector<256x256xf32>
    %scan3A = arith.constant 0 : i32
    %scan3A_2 = arith.constant 8 : i32
    %scan3A_3 = arith.addi %scan3A, %scan3A_2 : i32
    %scan3A_4 = arith.constant 1 : i32
    scf.for %scan3A_102 = %scan3A to %scan3A_3 step %scan3A_4  : i32 {
      %mul3A_103 = arith.constant 256 : i32
      %mul3A_104 = arith.muli %scan3A_102, %mul3A_103 : i32
      %get3A_105 = arith.index_cast %mul3A_104 : i32 to index
      %get3A_106 = arith.constant 0 : index
      %get3A_107 = vector.load %arg2[%get3A_105, %get3A_106] : memref<2048x512xf32, #tpu.memory_space<vmem>>, vector<256x512xf32>
      %mul3A_108 = arith.mulf %get3A_107, %get3A_107 : vector<256x512xf32>
      %reduce_sum3A_109 = arith.constant dense<0.000000e+00> : vector<256xf32>
      %reduce_sum3A_110 = vector.multi_reduction <add>, %mul3A_108, %reduce_sum3A_109 [1] : vector<256x512xf32> to vector<256xf32>
      %broadcast_in_dim3A_111 = vector.shape_cast %reduce_sum3A_110 : vector<256xf32> to vector<256x1xf32>
      %mul3A_112 = arith.constant 256 : i32
      %mul3A_113 = arith.muli %scan3A_102, %mul3A_112 : i32
      %swap3A_114 = arith.index_cast %mul3A_113 : i32 to index
      %swap3A_115 = arith.constant 0 : index
      %swap3A_116 = vector.load %arg7[%swap3A_114, %swap3A_115] : memref<2048x1xf32, #tpu.memory_space<vmem>>, vector<256x1xf32>
      tpu.vector_store %arg7[%swap3A_114, %swap3A_115], %broadcast_in_dim3A_111 {strides = array<i32>} : memref<2048x1xf32, #tpu.memory_space<vmem>>, vector<256x1xf32>,
    }
    %scan3A_5 = arith.constant 8 : i32
    %scan3A_6 = arith.constant 0 : i32
    %scan3A_7 = arith.constant 8 : i32
    %scan3A_8 = arith.addi %scan3A_6, %scan3A_7 : i32
    %scan3A_9 = arith.constant 1 : i32
    scf.for %scan3A_102 = %scan3A_6 to %scan3A_8 step %scan3A_9  : i32 {
      %mul3A_103 = arith.constant 256 : i32
      %mul3A_104 = arith.muli %scan3A_102, %mul3A_103 : i32
      %get3A_105 = arith.index_cast %mul3A_104 : i32 to index
      %get3A_106 = arith.constant 0 : index
      %get3A_107 = vector.load %arg7[%get3A_105, %get3A_106] : memref<2048x1xf32, #tpu.memory_space<vmem>>, vector<256x1xf32>
      %dot_general3A_108 = arith.constant dense<0.000000e+00> : vector<1x256xf32>
      %dot_general3A_109 = tpu.matmul %get3A_107, %convert_element_type3A_1, %dot_general3A_108 {dimension_numbers = #tpu.dot_dimension_numbers<[0], [0], [1], [1], [0, 1, 1, 1], [], []>, precision = #tpu.contract_precision<fp32>, transpose_lhs_hint = false} : vector<256x1xf32>, vector<256x256xf32>, vector<1x256xf32> -> vector<1x256xf32>
      %mul3A_110 = arith.constant 256 : i32
      %mul3A_111 = arith.muli %scan3A_102, %mul3A_110 : i32
      %swap3A_112 = arith.constant 0 : index
      %swap3A_113 = arith.index_cast %mul3A_111 : i32 to index
      %swap3A_114 = vector.load %arg8[%swap3A_112, %swap3A_113] : memref<1x2048xf32, #tpu.memory_space<vmem>>, vector<1x256xf32>
      tpu.vector_store %arg8[%swap3A_112, %swap3A_113], %dot_general3A_109 {strides = array<i32>} : memref<1x2048xf32, #tpu.memory_space<vmem>>, vector<1x256xf32>,
    }
    %scan3A_10 = arith.constant 8 : i32
    %iota3A_11 = tpu.iota {dimensions = array<i32: 0>} : vector<16x256xi32>
    %get3A = arith.constant 0 : index
    %get3A_12 = arith.constant 0 : index
    %get3A_13 = vector.load %arg1[%get3A, %get3A_12] : memref<1x256xi32, #tpu.memory_space<vmem>>, vector<1x256xi32>
    %eq3A_14 = vector.broadcast %get3A_13 : vector<1x256xi32> to vector<16x256xi32>
    %eq3A_15 = arith.cmpi eq, %iota3A_11, %eq3A_14 : vector<16x256xi32>
    %convert_element_type3A_16 = arith.extui %eq3A_15 : vector<16x256xi1> to vector<16x256xi32>
    %convert_element_type3A_17 = arith.sitofp %convert_element_type3A_16 : vector<16x256xi32> to vector<16x256xf32>
    %reduce_sum3A = arith.constant dense<0.000000e+00> : vector<16xf32>
    %reduce_sum3A_18 = vector.multi_reduction <add>, %convert_element_type3A_17, %reduce_sum3A [1] : vector<16x256xf32> to vector<16xf32>
    %broadcast_in_dim3A = vector.shape_cast %reduce_sum3A_18 : vector<16xf32> to vector<16x1xf32>
    %get3A_19 = arith.constant 0 : index
    %get3A_20 = arith.constant 0 : index
    %get3A_21 = vector.load %arg0[%get3A_19, %get3A_20] : memref<256x512xf32, #tpu.memory_space<vmem>>, vector<256x512xf32>
    %dot_general3A = arith.constant dense<0.000000e+00> : vector<16x512xf32>
    %dot_general3A_22 = tpu.matmul %convert_element_type3A_17, %get3A_21, %dot_general3A {dimension_numbers = #tpu.dot_dimension_numbers<[1], [0], [0], [1], [0, 0, 1, 1], [], []>, precision = #tpu.contract_precision<fp32>, transpose_lhs_hint = false} : vector<16x256xf32>, vector<256x512xf32>, vector<16x512xf32> -> vector<16x512xf32>
    %div3A = vector.broadcast %broadcast_in_dim3A : vector<16x1xf32> to vector<16x512xf32>
    %div3A_23 = arith.divf %dot_general3A_22, %div3A : vector<16x512xf32>
    %mul3A = arith.mulf %div3A_23, %div3A_23 : vector<16x512xf32>
    %reduce_sum3A_24 = arith.constant dense<0.000000e+00> : vector<16xf32>
    %reduce_sum3A_25 = vector.multi_reduction <add>, %mul3A, %reduce_sum3A_24 [1] : vector<16x512xf32> to vector<16xf32>
    %broadcast_in_dim3A_26 = vector.shape_cast %reduce_sum3A_25 : vector<16xf32> to vector<16x1xf32>
    %iota3A_27 = tpu.iota {dimensions = array<i32: 0>} : vector<16x16xi32>
    %iota3A_28 = tpu.iota {dimensions = array<i32: 1>} : vector<16x16xi32>
    %eq3A_29 = arith.cmpi eq, %iota3A_27, %iota3A_28 : vector<16x16xi32>
    %convert_element_type3A_30 = arith.extui %eq3A_29 : vector<16x16xi1> to vector<16x16xi32>
    %convert_element_type3A_31 = arith.sitofp %convert_element_type3A_30 : vector<16x16xi32> to vector<16x16xf32>
    %dot_general3A_32 = arith.constant dense<0.000000e+00> : vector<1x16xf32>
    %dot_general3A_33 = tpu.matmul %broadcast_in_dim3A_26, %convert_element_type3A_31, %dot_general3A_32 {dimension_numbers = #tpu.dot_dimension_numbers<[0], [0], [1], [1], [0, 1, 1, 1], [], []>, precision = #tpu.contract_precision<fp32>, transpose_lhs_hint = false} : vector<16x1xf32>, vector<16x16xf32>, vector<1x16xf32> -> vector<1x16xf32>
    %get3A_34 = arith.constant 0 : index
    %get3A_35 = arith.constant 0 : index
    %get3A_36 = vector.load %arg2[%get3A_34, %get3A_35] : memref<2048x512xf32, #tpu.memory_space<vmem>>, vector<2048x512xf32>
    %dot_general3A_37 = arith.constant dense<0.000000e+00> : vector<2048x16xf32>
    %dot_general3A_38 = tpu.matmul %get3A_36, %div3A_23, %dot_general3A_37 {dimension_numbers = #tpu.dot_dimension_numbers<[1], [1], [0], [0], [0, 0, 1, 0], [], []>, transpose_lhs_hint = false} : vector<2048x512xf32>, vector<16x512xf32>, vector<2048x16xf32> -> vector<2048x16xf32>
    %get3A_39 = arith.constant 0 : index
    %get3A_40 = arith.constant 0 : index
    %get3A_41 = vector.load %arg7[%get3A_39, %get3A_40] : memref<2048x1xf32, #tpu.memory_space<vmem>>, vector<2048x1xf32>
    %add3A = vector.broadcast %get3A_41 : vector<2048x1xf32> to vector<2048x16xf32>
    %add3A_42 = vector.broadcast %dot_general3A_33 : vector<1x16xf32> to vector<2048x16xf32>
    %add3A_43 = arith.addf %add3A, %add3A_42 : vector<2048x16xf32>
    %mul3A_44 = arith.constant 2.000000e+00 : f32
    %mul3A_45 = vector.broadcast %mul3A_44 : f32 to vector<2048x16xf32>
    %mul3A_46 = arith.mulf %mul3A_45, %dot_general3A_38 : vector<2048x16xf32>
    %sub3A = arith.subf %add3A_43, %mul3A_46 : vector<2048x16xf32>
    %max3A = arith.constant 0.000000e+00 : f32
    %max3A_47 = vector.broadcast %max3A : f32 to vector<2048x16xf32>
    %max3A_48 = arith.maximumf %sub3A, %max3A_47 : vector<2048x16xf32>
    %add3A_49 = arith.constant 9.99999996E-13 : f32
    %add3A_50 = vector.broadcast %add3A_49 : f32 to vector<2048x16xf32>
    %add3A_51 = arith.addf %max3A_48, %add3A_50 : vector<2048x16xf32>
    %sqrt3A = math.sqrt %add3A_51 : vector<2048x16xf32>
    %mul3A_52 = arith.mulf %sqrt3A, %sqrt3A : vector<2048x16xf32>
    %swap3A = arith.constant 0 : index
    %swap3A_53 = arith.constant 0 : index
    %swap3A_54 = vector.load %arg4[%swap3A, %swap3A_53] : memref<2048x16xf32, #tpu.memory_space<vmem>>, vector<2048x16xf32>
    tpu.vector_store %arg4[%swap3A, %swap3A_53], %mul3A_52 {strides = array<i32>} : memref<2048x16xf32, #tpu.memory_space<vmem>>, vector<2048x16xf32>,
    %reduce_min3A = arith.constant dense<0x7F800000> : vector<2048xf32>
    %reduce_min3A_55 = vector.multi_reduction <minimumf>, %sqrt3A, %reduce_min3A [1] : vector<2048x16xf32> to vector<2048xf32>
    %broadcast_in_dim3A_56 = vector.shape_cast %reduce_min3A_55 : vector<2048xf32> to vector<2048x1xf32>
    %bitcast_convert_type3A = tpu.bitcast %broadcast_in_dim3A_56 : vector<2048x1xf32> -> vector<2048x1xi32>
    %scan3A_57 = arith.constant 0 : i32
    %scan3A_58 = arith.constant 2147483647 : i32
    %scan3A_59 = arith.constant 0 : i32
    %scan3A_60 = arith.constant 31 : i32
    %scan3A_61 = arith.addi %scan3A_59, %scan3A_60 : i32
    %scan3A_62 = arith.constant 1 : i32
    %scan3A_63:2 = scf.for %scan3A_102 = %scan3A_59 to %scan3A_61 step %scan3A_62 iter_args(%scan3A_103 = %scan3A_57, %scan3A_104 = %scan3A_58) -> (i32, i32)  : i32 {
      %sub3A_105 = arith.subi %scan3A_104, %scan3A_103 : i32
      %jit3A = arith.constant 2 : i32
      %div3A_106 = arith.divsi %sub3A_105, %jit3A : i32
      %sign3A = arith.constant 0 : i32
      %sign3A_107 = arith.cmpi sgt, %sub3A_105, %sign3A : i32
      %sign3A_108 = arith.extui %sign3A_107 : i1 to i32
      %sign3A_109 = arith.constant 0 : i32
      %sign3A_110 = arith.cmpi slt, %sub3A_105, %sign3A_109 : i32
      %sign3A_111 = arith.extui %sign3A_110 : i1 to i32
      %sign3A_112 = arith.subi %sign3A_108, %sign3A_111 : i32
      %sign3A_113 = arith.constant 0 : i32
      %sign3A_114 = arith.cmpi sgt, %jit3A, %sign3A_113 : i32
      %sign3A_115 = arith.extui %sign3A_114 : i1 to i32
      %sign3A_116 = arith.constant 0 : i32
      %sign3A_117 = arith.cmpi slt, %jit3A, %sign3A_116 : i32
      %sign3A_118 = arith.extui %sign3A_117 : i1 to i32
      %sign3A_119 = arith.subi %sign3A_115, %sign3A_118 : i32
      %ne3A = arith.cmpi ne, %sign3A_112, %sign3A_119 : i32
      %rem3A = arith.remsi %sub3A_105, %jit3A : i32
      %ne3A_120 = arith.constant 0 : i32
      %ne3A_121 = arith.cmpi ne, %rem3A, %ne3A_120 : i32
      %and3A = arith.andi %ne3A, %ne3A_121 : i1
      %sub3A_122 = arith.constant 1 : i32
      %sub3A_123 = arith.subi %div3A_106, %sub3A_122 : i32
      %select_n3A = arith.select %and3A, %sub3A_123, %div3A_106 : i32
      %add3A_124 = arith.addi %scan3A_103, %select_n3A : i32
      %le3A = vector.broadcast %add3A_124 : i32 to vector<2048x1xi32>
      %le3A_125 = arith.cmpi sle, %bitcast_convert_type3A, %le3A : vector<2048x1xi32>
      %convert_element_type3A_126 = arith.extui %le3A_125 : vector<2048x1xi1> to vector<2048x1xi32>
      %reduce_sum3A_127 = vector.shape_cast %convert_element_type3A_126 : vector<2048x1xi32> to vector<1x2048x1xi32>
      %reduce_sum3A_128 = arith.constant dense<0> : vector<1xi32>
      %reduce_sum3A_129 = vector.multi_reduction <add>, %reduce_sum3A_127, %reduce_sum3A_128 [1, 2] : vector<1x2048x1xi32> to vector<1xi32>
      %reduce_sum3A_130 = vector.shape_cast %reduce_sum3A_129 : vector<1xi32> to vector<1x1x1xi32>
      %reduce_sum3A_131 = vector.extract %reduce_sum3A_130[0, 0, 0] : i32 from vector<1x1x1xi32>
      %ge3A = arith.constant 1024 : i32
      %ge3A_132 = arith.cmpi sge, %reduce_sum3A_131, %ge3A : i32
      %add3A_133 = arith.constant 1 : i32
      %add3A_134 = arith.addi %add3A_124, %add3A_133 : i32
      %select_n3A_135 = arith.select %ge3A_132, %scan3A_103, %add3A_134 : i32
      %select_n3A_136 = arith.select %ge3A_132, %add3A_124, %scan3A_104 : i32
      scf.yield %select_n3A_135, %select_n3A_136 : i32, i32
    }
    %bitcast_convert_type3A_64 = arith.bitcast %scan3A_63#0 : i32 to f32
    %mul3A_65 = arith.mulf %broadcast_in_dim3A_56, %broadcast_in_dim3A_56 : vector<2048x1xf32>
    %neg3A = arith.constant 0.000000e+00 : f32
    %neg3A_66 = vector.broadcast %neg3A : f32 to vector<2048x1xf32>
    %neg3A_67 = arith.subf %neg3A_66, %mul3A_65 : vector<2048x1xf32>
    %mul3A_68 = arith.constant 2.000000e+00 : f32
    %mul3A_69 = arith.mulf %mul3A_68, %bitcast_convert_type3A_64 : f32
    %mul3A_70 = arith.mulf %mul3A_69, %bitcast_convert_type3A_64 : f32
    %add3A_71 = arith.constant 9.99999993E-9 : f32
    %add3A_72 = arith.addf %mul3A_70, %add3A_71 : f32
    %div3A_73 = vector.broadcast %add3A_72 : f32 to vector<2048x1xf32>
    %div3A_74 = arith.divf %neg3A_67, %div3A_73 : vector<2048x1xf32>
    %exp3A = math.exp %div3A_74 : vector<2048x1xf32>
    %swap3A_75 = arith.constant 0 : index
    %swap3A_76 = arith.constant 0 : index
    %swap3A_77 = vector.load %arg5[%swap3A_75, %swap3A_76] : memref<2048x1xf32, #tpu.memory_space<vmem>>, vector<2048x1xf32>
    tpu.vector_store %arg5[%swap3A_75, %swap3A_76], %exp3A {strides = array<i32>} : memref<2048x1xf32, #tpu.memory_space<vmem>>, vector<2048x1xf32>,
    %get3A_78 = arith.constant 0 : index
    %get3A_79 = arith.constant 0 : index
    %get3A_80 = vector.load %arg4[%get3A_78, %get3A_79] : memref<2048x16xf32, #tpu.memory_space<vmem>>, vector<2048x16xf32>
    %neg3A_81 = arith.constant 0.000000e+00 : f32
    %neg3A_82 = vector.broadcast %neg3A_81 : f32 to vector<2048x16xf32>
    %neg3A_83 = arith.subf %neg3A_82, %get3A_80 : vector<2048x16xf32>
    %reduce_max3A = arith.constant dense<0xFF800000> : vector<2048xf32>
    %reduce_max3A_84 = vector.multi_reduction <maximumf>, %neg3A_83, %reduce_max3A [1] : vector<2048x16xf32> to vector<2048xf32>
    %broadcast_in_dim3A_85 = vector.shape_cast %reduce_max3A_84 : vector<2048xf32> to vector<2048x1xf32>
    %sub3A_86 = vector.broadcast %broadcast_in_dim3A_85 : vector<2048x1xf32> to vector<2048x16xf32>
    %sub3A_87 = arith.subf %neg3A_83, %sub3A_86 : vector<2048x16xf32>
    %exp3A_88 = math.exp %sub3A_87 : vector<2048x16xf32>
    %reduce_sum3A_89 = arith.constant dense<0.000000e+00> : vector<2048xf32>
    %reduce_sum3A_90 = vector.multi_reduction <add>, %exp3A_88, %reduce_sum3A_89 [1] : vector<2048x16xf32> to vector<2048xf32>
    %broadcast_in_dim3A_91 = vector.shape_cast %reduce_sum3A_90 : vector<2048xf32> to vector<2048x1xf32>
    %div3A_92 = vector.broadcast %broadcast_in_dim3A_91 : vector<2048x1xf32> to vector<2048x16xf32>
    %div3A_93 = arith.divf %exp3A_88, %div3A_92 : vector<2048x16xf32>
    %swap3A_94 = arith.constant 0 : index
    %swap3A_95 = arith.constant 0 : index
    %swap3A_96 = vector.load %arg6[%swap3A_94, %swap3A_95] : memref<2048x16xf32, #tpu.memory_space<vmem>>, vector<2048x16xf32>
    tpu.vector_store %arg6[%swap3A_94, %swap3A_95], %div3A_93 {strides = array<i32>} : memref<2048x16xf32, #tpu.memory_space<vmem>>, vector<2048x16xf32>,
    %scan3A_97 = arith.constant 0 : i32
    %scan3A_98 = arith.constant 8 : i32
    %scan3A_99 = arith.addi %scan3A_97, %scan3A_98 : i32
    %scan3A_100 = arith.constant 1 : i32
    scf.for %scan3A_102 = %scan3A_97 to %scan3A_99 step %scan3A_100  : i32 {
      %mul3A_103 = arith.constant 256 : i32
      %mul3A_104 = arith.muli %scan3A_102, %mul3A_103 : i32
      %get3A_105 = arith.index_cast %mul3A_104 : i32 to index
      %get3A_106 = arith.constant 0 : index
      %get3A_107 = vector.load %arg2[%get3A_105, %get3A_106] : memref<2048x512xf32, #tpu.memory_space<vmem>>, vector<256x512xf32>
      %get3A_108 = arith.constant 0 : index
      %get3A_109 = arith.constant 0 : index
      %get3A_110 = vector.load %arg2[%get3A_108, %get3A_109] : memref<2048x512xf32, #tpu.memory_space<vmem>>, vector<2048x512xf32>
      %dot_general3A_111 = arith.constant dense<0.000000e+00> : vector<256x2048xf32>
      %dot_general3A_112 = tpu.matmul %get3A_107, %get3A_110, %dot_general3A_111 {dimension_numbers = #tpu.dot_dimension_numbers<[1], [1], [0], [0], [0, 0, 1, 0], [], []>, transpose_lhs_hint = false} : vector<256x512xf32>, vector<2048x512xf32>, vector<256x2048xf32> -> vector<256x2048xf32>
      %mul3A_113 = arith.constant 256 : i32
      %mul3A_114 = arith.muli %scan3A_102, %mul3A_113 : i32
      %get3A_115 = arith.index_cast %mul3A_114 : i32 to index
      %get3A_116 = arith.constant 0 : index
      %get3A_117 = vector.load %arg7[%get3A_115, %get3A_116] : memref<2048x1xf32, #tpu.memory_space<vmem>>, vector<256x1xf32>
      %get3A_118 = arith.constant 0 : index
      %get3A_119 = arith.constant 0 : index
      %get3A_120 = vector.load %arg8[%get3A_118, %get3A_119] : memref<1x2048xf32, #tpu.memory_space<vmem>>, vector<1x2048xf32>
      %add3A_121 = vector.broadcast %get3A_117 : vector<256x1xf32> to vector<256x2048xf32>
      %add3A_122 = vector.broadcast %get3A_120 : vector<1x2048xf32> to vector<256x2048xf32>
      %add3A_123 = arith.addf %add3A_121, %add3A_122 : vector<256x2048xf32>
      %mul3A_124 = arith.constant 2.000000e+00 : f32
      %mul3A_125 = vector.broadcast %mul3A_124 : f32 to vector<256x2048xf32>
      %mul3A_126 = arith.mulf %mul3A_125, %dot_general3A_112 : vector<256x2048xf32>
      %sub3A_127 = arith.subf %add3A_123, %mul3A_126 : vector<256x2048xf32>
      %max3A_128 = arith.constant 0.000000e+00 : f32
      %max3A_129 = vector.broadcast %max3A_128 : f32 to vector<256x2048xf32>
      %max3A_130 = arith.maximumf %sub3A_127, %max3A_129 : vector<256x2048xf32>
      %add3A_131 = arith.constant 9.99999996E-13 : f32
      %add3A_132 = vector.broadcast %add3A_131 : f32 to vector<256x2048xf32>
      %add3A_133 = arith.addf %max3A_130, %add3A_132 : vector<256x2048xf32>
      %sqrt3A_134 = math.sqrt %add3A_133 : vector<256x2048xf32>
      %mul3A_135 = arith.constant 256 : i32
      %mul3A_136 = arith.muli %scan3A_102, %mul3A_135 : i32
      %swap3A_137 = arith.index_cast %mul3A_136 : i32 to index
      %swap3A_138 = arith.constant 0 : index
      %swap3A_139 = vector.load %arg3[%swap3A_137, %swap3A_138] : memref<2048x2048xf32, #tpu.memory_space<vmem>>, vector<256x2048xf32>
      tpu.vector_store %arg3[%swap3A_137, %swap3A_138], %sqrt3A_134 {strides = array<i32>} : memref<2048x2048xf32, #tpu.memory_space<vmem>>, vector<256x2048xf32>,
    }
    %scan3A_101 = arith.constant 8 : i32
    return
  }
}

module attributes {stable_mosaic.version = 14 : i64} {
  func.func @_b_body(%arg0: memref<2048x2048xf32, #tpu.memory_space<vmem>>, %arg1: memref<2048x1xf32, #tpu.memory_space<vmem>>, %arg2: memref<2048x16xf32, #tpu.memory_space<vmem>>, %arg3: memref<2048x1xf32, #tpu.memory_space<vmem>>, %arg4: memref<2048x16xf32, #tpu.memory_space<vmem>>, %arg5: memref<2048x1xi32, #tpu.memory_space<vmem>>, %arg6: memref<2048x2048xf32, #tpu.memory_space<vmem>>, %arg7: memref<1x2048xf32, #tpu.memory_space<vmem>>, %arg8: memref<2048x16xf32, #tpu.memory_space<vmem>>, %arg9: memref<2048x1xf32, #tpu.memory_space<vmem>>) attributes {dimension_semantics = [], scalar_prefetch = 0 : i64, scratch_operands = 4 : i64, tpu.core_type = #tpu.core_type<tc>} {
    %iota3A = tpu.iota {dimensions = array<i32: 0>} : vector<256x256xi32>
    %iota3A_0 = tpu.iota {dimensions = array<i32: 1>} : vector<256x256xi32>
    %eq3A = arith.cmpi eq, %iota3A, %iota3A_0 : vector<256x256xi32>
    %convert_element_type3A = arith.extui %eq3A : vector<256x256xi1> to vector<256x256xi32>
    %convert_element_type3A_1 = arith.sitofp %convert_element_type3A : vector<256x256xi32> to vector<256x256xf32>
    %scan3A = arith.constant 0 : i32
    %scan3A_2 = arith.constant 8 : i32
    %scan3A_3 = arith.addi %scan3A, %scan3A_2 : i32
    %scan3A_4 = arith.constant 1 : i32
    scf.for %scan3A_48 = %scan3A to %scan3A_3 step %scan3A_4  : i32 {
      %mul3A = arith.constant 256 : i32
      %mul3A_49 = arith.muli %scan3A_48, %mul3A : i32
      %get3A_50 = arith.index_cast %mul3A_49 : i32 to index
      %get3A_51 = arith.constant 0 : index
      %get3A_52 = vector.load %arg1[%get3A_50, %get3A_51] : memref<2048x1xf32, #tpu.memory_space<vmem>>, vector<256x1xf32>
      %dot_general3A = arith.constant dense<0.000000e+00> : vector<1x256xf32>
      %dot_general3A_53 = tpu.matmul %get3A_52, %convert_element_type3A_1, %dot_general3A {dimension_numbers = #tpu.dot_dimension_numbers<[0], [0], [1], [1], [0, 1, 1, 1], [], []>, precision = #tpu.contract_precision<fp32>, transpose_lhs_hint = false} : vector<256x1xf32>, vector<256x256xf32>, vector<1x256xf32> -> vector<1x256xf32>
      %mul3A_54 = arith.constant 256 : i32
      %mul3A_55 = arith.muli %scan3A_48, %mul3A_54 : i32
      %swap3A_56 = arith.constant 0 : index
      %swap3A_57 = arith.index_cast %mul3A_55 : i32 to index
      %swap3A_58 = vector.load %arg7[%swap3A_56, %swap3A_57] : memref<1x2048xf32, #tpu.memory_space<vmem>>, vector<1x256xf32>
      tpu.vector_store %arg7[%swap3A_56, %swap3A_57], %dot_general3A_53 {strides = array<i32>} : memref<1x2048xf32, #tpu.memory_space<vmem>>, vector<1x256xf32>,
    }
    %scan3A_5 = arith.constant 8 : i32
    %get3A = arith.constant 0 : index
    %get3A_6 = arith.constant 0 : index
    %get3A_7 = vector.load %arg4[%get3A, %get3A_6] : memref<2048x16xf32, #tpu.memory_space<vmem>>, vector<2048x16xf32>
    %swap3A = arith.constant 0 : index
    %swap3A_8 = arith.constant 0 : index
    %swap3A_9 = vector.load %arg8[%swap3A, %swap3A_8] : memref<2048x16xf32, #tpu.memory_space<vmem>>, vector<2048x16xf32>
    tpu.vector_store %arg8[%swap3A, %swap3A_8], %get3A_7 {strides = array<i32>} : memref<2048x16xf32, #tpu.memory_space<vmem>>, vector<2048x16xf32>,
    %scan3A_10 = arith.constant 0 : i32
    %scan3A_11 = arith.constant 8 : i32
    %scan3A_12 = arith.addi %scan3A_10, %scan3A_11 : i32
    %scan3A_13 = arith.constant 1 : i32
    scf.for %scan3A_48 = %scan3A_10 to %scan3A_12 step %scan3A_13  : i32 {
      %mul3A = arith.constant 256 : i32
      %mul3A_49 = arith.muli %scan3A_48, %mul3A : i32
      %get3A_50 = arith.index_cast %mul3A_49 : i32 to index
      %get3A_51 = arith.constant 0 : index
      %get3A_52 = vector.load %arg0[%get3A_50, %get3A_51] : memref<2048x2048xf32, #tpu.memory_space<vmem>>, vector<256x2048xf32>
      %get3A_53 = arith.index_cast %mul3A_49 : i32 to index
      %get3A_54 = arith.constant 0 : index
      %get3A_55 = vector.load %arg1[%get3A_53, %get3A_54] : memref<2048x1xf32, #tpu.memory_space<vmem>>, vector<256x1xf32>
      %gt3A = arith.constant 0.000000e+00 : f32
      %gt3A_56 = vector.broadcast %gt3A : f32 to vector<256x2048xf32>
      %gt3A_57 = arith.cmpf ogt, %get3A_52, %gt3A_56 : vector<256x2048xf32>
      %neg3A_58 = arith.constant 0.000000e+00 : f32
      %neg3A_59 = vector.broadcast %neg3A_58 : f32 to vector<256x2048xf32>
      %neg3A_60 = arith.subf %neg3A_59, %get3A_52 : vector<256x2048xf32>
      %get3A_61 = arith.constant 0 : index
      %get3A_62 = arith.constant 0 : index
      %get3A_63 = vector.load %arg7[%get3A_61, %get3A_62] : memref<1x2048xf32, #tpu.memory_space<vmem>>, vector<1x2048xf32>
      %mul3A_64 = vector.broadcast %get3A_55 : vector<256x1xf32> to vector<256x2048xf32>
      %mul3A_65 = vector.broadcast %get3A_63 : vector<1x2048xf32> to vector<256x2048xf32>
      %mul3A_66 = arith.mulf %mul3A_64, %mul3A_65 : vector<256x2048xf32>
      %div3A = arith.divf %neg3A_60, %mul3A_66 : vector<256x2048xf32>
      %exp3A = math.exp %div3A : vector<256x2048xf32>
      %jit3A_67 = arith.constant 0.000000e+00 : f32
      %broadcast_in_dim3A_68 = vector.broadcast %jit3A_67 : f32 to vector<256x2048xf32>
      %select_n3A_69 = arith.select %gt3A_57, %exp3A, %broadcast_in_dim3A_68 : vector<256x2048xi1>, vector<256x2048xf32>
      %swap3A_70 = arith.index_cast %mul3A_49 : i32 to index
      %swap3A_71 = arith.constant 0 : index
      %swap3A_72 = vector.load %arg6[%swap3A_70, %swap3A_71] : memref<2048x2048xf32, #tpu.memory_space<vmem>>, vector<256x2048xf32>
      tpu.vector_store %arg6[%swap3A_70, %swap3A_71], %select_n3A_69 {strides = array<i32>} : memref<2048x2048xf32, #tpu.memory_space<vmem>>, vector<256x2048xf32>,
    }
    %scan3A_14 = arith.constant 8 : i32
    %scan3A_15 = arith.constant 0 : i32
    %scan3A_16 = arith.constant 8 : i32
    %scan3A_17 = arith.addi %scan3A_15, %scan3A_16 : i32
    %scan3A_18 = arith.constant 1 : i32
    scf.for %scan3A_48 = %scan3A_15 to %scan3A_17 step %scan3A_18  : i32 {
      %while3A_49 = arith.constant 8 : i32
      %while3A_50 = arith.constant 0 : i32
      %while3A_51 = arith.subi %while3A_49, %scan3A_48 : i32
      %while3A_52 = arith.addi %scan3A_48, %while3A_51 : i32
      %while3A_53 = arith.constant 1 : i32
      %while3A_54 = arith.divsi %while3A_51, %while3A_53 : i32
      %while3A_55 = arith.muli %while3A_54, %while3A_53 : i32
      %while3A_56 = arith.addi %scan3A_48, %while3A_55 : i32
      %while3A_57 = arith.constant 1 : i32
      %while3A_58 = scf.for %while3A_61 = %scan3A_48 to %while3A_56 step %while3A_57 iter_args(%while3A_62 = %while3A_50) -> (i32)  : i32 {
        %mul3A = arith.constant 256 : i32
        %mul3A_63 = arith.muli %scan3A_48, %mul3A : i32
        %mul3A_64 = arith.constant 256 : i32
        %mul3A_65 = arith.muli %while3A_61, %mul3A_64 : i32
        %get3A_66 = arith.index_cast %mul3A_63 : i32 to index
        %get3A_67 = arith.index_cast %mul3A_65 : i32 to index
        %get3A_68 = vector.load %arg6[%get3A_66, %get3A_67] : memref<2048x2048xf32, #tpu.memory_space<vmem>>, vector<256x256xf32>
        %get3A_69 = arith.index_cast %mul3A_65 : i32 to index
        %get3A_70 = arith.index_cast %mul3A_63 : i32 to index
        %get3A_71 = vector.load %arg6[%get3A_69, %get3A_70] : memref<2048x2048xf32, #tpu.memory_space<vmem>>, vector<256x256xf32>
        %transpose3A = tpu.transpose %get3A_71, [1, 0] : vector<256x256xf32> -> vector<256x256xf32>
        %add3A = arith.addf %get3A_68, %transpose3A : vector<256x256xf32>
        %div3A = arith.constant 2.000000e+00 : f32
        %div3A_72 = vector.broadcast %div3A : f32 to vector<256x256xf32>
        %div3A_73 = arith.divf %add3A, %div3A_72 : vector<256x256xf32>
        %swap3A_74 = arith.index_cast %mul3A_63 : i32 to index
        %swap3A_75 = arith.index_cast %mul3A_65 : i32 to index
        %swap3A_76 = vector.load %arg6[%swap3A_74, %swap3A_75] : memref<2048x2048xf32, #tpu.memory_space<vmem>>, vector<256x256xf32>
        tpu.vector_store %arg6[%swap3A_74, %swap3A_75], %div3A_73 {strides = array<i32>} : memref<2048x2048xf32, #tpu.memory_space<vmem>>, vector<256x256xf32>,
        %transpose3A_77 = tpu.transpose %div3A_73, [1, 0] : vector<256x256xf32> -> vector<256x256xf32>
        %swap3A_78 = arith.index_cast %mul3A_65 : i32 to index
        %swap3A_79 = arith.index_cast %mul3A_63 : i32 to index
        %swap3A_80 = vector.load %arg6[%swap3A_78, %swap3A_79] : memref<2048x2048xf32, #tpu.memory_space<vmem>>, vector<256x256xf32>
        tpu.vector_store %arg6[%swap3A_78, %swap3A_79], %transpose3A_77 {strides = array<i32>} : memref<2048x2048xf32, #tpu.memory_space<vmem>>, vector<256x256xf32>,
        %while3A_81 = arith.constant 0 : i32
        scf.yield %while3A_81 : i32
      }
      %while3A_59 = arith.constant 1 : i32
      %while3A_60 = scf.for %while3A_61 = %while3A_56 to %while3A_52 step %while3A_59 iter_args(%while3A_62 = %while3A_58) -> (i32)  : i32 {
        %mul3A = arith.constant 256 : i32
        %mul3A_63 = arith.muli %scan3A_48, %mul3A : i32
        %mul3A_64 = arith.constant 256 : i32
        %mul3A_65 = arith.muli %while3A_61, %mul3A_64 : i32
        %get3A_66 = arith.index_cast %mul3A_63 : i32 to index
        %get3A_67 = arith.index_cast %mul3A_65 : i32 to index
        %get3A_68 = vector.load %arg6[%get3A_66, %get3A_67] : memref<2048x2048xf32, #tpu.memory_space<vmem>>, vector<256x256xf32>
        %get3A_69 = arith.index_cast %mul3A_65 : i32 to index
        %get3A_70 = arith.index_cast %mul3A_63 : i32 to index
        %get3A_71 = vector.load %arg6[%get3A_69, %get3A_70] : memref<2048x2048xf32, #tpu.memory_space<vmem>>, vector<256x256xf32>
        %transpose3A = tpu.transpose %get3A_71, [1, 0] : vector<256x256xf32> -> vector<256x256xf32>
        %add3A = arith.addf %get3A_68, %transpose3A : vector<256x256xf32>
        %div3A = arith.constant 2.000000e+00 : f32
        %div3A_72 = vector.broadcast %div3A : f32 to vector<256x256xf32>
        %div3A_73 = arith.divf %add3A, %div3A_72 : vector<256x256xf32>
        %swap3A_74 = arith.index_cast %mul3A_63 : i32 to index
        %swap3A_75 = arith.index_cast %mul3A_65 : i32 to index
        %swap3A_76 = vector.load %arg6[%swap3A_74, %swap3A_75] : memref<2048x2048xf32, #tpu.memory_space<vmem>>, vector<256x256xf32>
        tpu.vector_store %arg6[%swap3A_74, %swap3A_75], %div3A_73 {strides = array<i32>} : memref<2048x2048xf32, #tpu.memory_space<vmem>>, vector<256x256xf32>,
        %transpose3A_77 = tpu.transpose %div3A_73, [1, 0] : vector<256x256xf32> -> vector<256x256xf32>
        %swap3A_78 = arith.index_cast %mul3A_65 : i32 to index
        %swap3A_79 = arith.index_cast %mul3A_63 : i32 to index
        %swap3A_80 = vector.load %arg6[%swap3A_78, %swap3A_79] : memref<2048x2048xf32, #tpu.memory_space<vmem>>, vector<256x256xf32>
        tpu.vector_store %arg6[%swap3A_78, %swap3A_79], %transpose3A_77 {strides = array<i32>} : memref<2048x2048xf32, #tpu.memory_space<vmem>>, vector<256x256xf32>,
        %while3A_81 = arith.constant 0 : i32
        scf.yield %while3A_81 : i32
      }
    }
    %scan3A_19 = arith.constant 8 : i32
    %scan3A_20 = arith.constant 0 : i32
    %scan3A_21 = arith.constant 8 : i32
    %scan3A_22 = arith.addi %scan3A_20, %scan3A_21 : i32
    %scan3A_23 = arith.constant 1 : i32
    scf.for %scan3A_48 = %scan3A_20 to %scan3A_22 step %scan3A_23  : i32 {
      %mul3A = arith.constant 256 : i32
      %mul3A_49 = arith.muli %scan3A_48, %mul3A : i32
      %get3A_50 = arith.index_cast %mul3A_49 : i32 to index
      %get3A_51 = arith.constant 0 : index
      %get3A_52 = vector.load %arg6[%get3A_50, %get3A_51] : memref<2048x2048xf32, #tpu.memory_space<vmem>>, vector<256x2048xf32>
      %reduce_sum3A = arith.constant dense<0.000000e+00> : vector<256xf32>
      %reduce_sum3A_53 = vector.multi_reduction <add>, %get3A_52, %reduce_sum3A [1] : vector<256x2048xf32> to vector<256xf32>
      %broadcast_in_dim3A_54 = vector.shape_cast %reduce_sum3A_53 : vector<256xf32> to vector<256x1xf32>
      %add3A = arith.constant 9.99999993E-9 : f32
      %add3A_55 = vector.broadcast %add3A : f32 to vector<256x1xf32>
      %add3A_56 = arith.addf %broadcast_in_dim3A_54, %add3A_55 : vector<256x1xf32>
      %div3A = arith.constant 1.000000e+00 : f32
      %div3A_57 = vector.broadcast %div3A : f32 to vector<256x1xf32>
      %div3A_58 = arith.divf %div3A_57, %add3A_56 : vector<256x1xf32>
      %get3A_59 = arith.index_cast %mul3A_49 : i32 to index
      %get3A_60 = arith.constant 0 : index
      %get3A_61 = vector.load %arg3[%get3A_59, %get3A_60] : memref<2048x1xf32, #tpu.memory_space<vmem>>, vector<256x1xf32>
      %mul3A_62 = arith.mulf %get3A_61, %div3A_58 : vector<256x1xf32>
      %swap3A_63 = arith.index_cast %mul3A_49 : i32 to index
      %swap3A_64 = arith.constant 0 : index
      %swap3A_65 = vector.load %arg9[%swap3A_63, %swap3A_64] : memref<2048x1xf32, #tpu.memory_space<vmem>>, vector<256x1xf32>
      tpu.vector_store %arg9[%swap3A_63, %swap3A_64], %mul3A_62 {strides = array<i32>} : memref<2048x1xf32, #tpu.memory_space<vmem>>, vector<256x1xf32>,
    }
    %scan3A_24 = arith.constant 8 : i32
    %get3A_25 = arith.constant 0 : index
    %get3A_26 = arith.constant 0 : index
    %get3A_27 = vector.load %arg2[%get3A_25, %get3A_26] : memref<2048x16xf32, #tpu.memory_space<vmem>>, vector<2048x16xf32>
    %neg3A = arith.constant 0.000000e+00 : f32
    %neg3A_28 = vector.broadcast %neg3A : f32 to vector<2048x16xf32>
    %neg3A_29 = arith.subf %neg3A_28, %get3A_27 : vector<2048x16xf32>
    %get3A_30 = arith.constant 0 : index
    %get3A_31 = arith.constant 0 : index
    %get3A_32 = vector.load %arg9[%get3A_30, %get3A_31] : memref<2048x1xf32, #tpu.memory_space<vmem>>, vector<2048x1xf32>
    %while3A = arith.constant 0 : i32
    %while3A_33 = arith.constant false
    %while3A_34:2 = scf.while (%while3A_48 = %while3A, %while3A_49 = %while3A_33) : (i32, i1) -> (i32, i1) {
      %lt3A = arith.constant 50 : i32
      %lt3A_50 = arith.cmpi slt, %while3A_48, %lt3A : i32
      %not3A = arith.constant true
      %not3A_51 = arith.xori %while3A_49, %not3A : i1
      %and3A = arith.andi %lt3A_50, %not3A_51 : i1
      scf.condition(%and3A) %while3A_48, %while3A_49 : i32, i1
    } do {
    ^bb0(%while3A_48: i32, %while3A_49: i1):
      %get3A_50 = arith.constant 0 : index
      %get3A_51 = arith.constant 0 : index
      %get3A_52 = vector.load %arg8[%get3A_50, %get3A_51] : memref<2048x16xf32, #tpu.memory_space<vmem>>, vector<2048x16xf32>
      %get3A_53 = arith.constant 0 : index
      %get3A_54 = arith.constant 0 : index
      %get3A_55 = vector.load %arg6[%get3A_53, %get3A_54] : memref<2048x2048xf32, #tpu.memory_space<vmem>>, vector<2048x2048xf32>
      %dot_general3A = arith.constant dense<0.000000e+00> : vector<2048x16xf32>
      %dot_general3A_56 = tpu.matmul %get3A_55, %get3A_52, %dot_general3A {dimension_numbers = #tpu.dot_dimension_numbers<[1], [0], [0], [1], [0, 0, 1, 1], [], []>, transpose_lhs_hint = false} : vector<2048x2048xf32>, vector<2048x16xf32>, vector<2048x16xf32> -> vector<2048x16xf32>
      %mul3A = vector.broadcast %get3A_32 : vector<2048x1xf32> to vector<2048x16xf32>
      %mul3A_57 = arith.mulf %mul3A, %dot_general3A_56 : vector<2048x16xf32>
      %add3A = arith.addf %neg3A_29, %mul3A_57 : vector<2048x16xf32>
      %reduce_max3A_58 = arith.constant dense<0xFF800000> : vector<2048xf32>
      %reduce_max3A_59 = vector.multi_reduction <maximumf>, %add3A, %reduce_max3A_58 [1] : vector<2048x16xf32> to vector<2048xf32>
      %broadcast_in_dim3A_60 = vector.shape_cast %reduce_max3A_59 : vector<2048xf32> to vector<2048x1xf32>
      %sub3A = vector.broadcast %broadcast_in_dim3A_60 : vector<2048x1xf32> to vector<2048x16xf32>
      %sub3A_61 = arith.subf %add3A, %sub3A : vector<2048x16xf32>
      %exp3A = math.exp %sub3A_61 : vector<2048x16xf32>
      %reduce_sum3A = arith.constant dense<0.000000e+00> : vector<2048xf32>
      %reduce_sum3A_62 = vector.multi_reduction <add>, %exp3A, %reduce_sum3A [1] : vector<2048x16xf32> to vector<2048xf32>
      %broadcast_in_dim3A_63 = vector.shape_cast %reduce_sum3A_62 : vector<2048xf32> to vector<2048x1xf32>
      %div3A = vector.broadcast %broadcast_in_dim3A_63 : vector<2048x1xf32> to vector<2048x16xf32>
      %div3A_64 = arith.divf %exp3A, %div3A : vector<2048x16xf32>
      %sub3A_65 = arith.subf %div3A_64, %get3A_52 : vector<2048x16xf32>
      %abs3A = math.absf %sub3A_65 : vector<2048x16xf32>
      %reduce_max3A_66 = vector.shape_cast %abs3A : vector<2048x16xf32> to vector<1x2048x16xf32>
      %reduce_max3A_67 = arith.constant dense<0xFF800000> : vector<1xf32>
      %reduce_max3A_68 = vector.multi_reduction <maximumf>, %reduce_max3A_66, %reduce_max3A_67 [1, 2] : vector<1x2048x16xf32> to vector<1xf32>
      %reduce_max3A_69 = vector.shape_cast %reduce_max3A_68 : vector<1xf32> to vector<1x1x1xf32>
      %reduce_max3A_70 = vector.extract %reduce_max3A_69[0, 0, 0] : f32 from vector<1x1x1xf32>
      %lt3A = arith.constant 9.99999974E-5 : f32
      %lt3A_71 = arith.cmpf olt, %reduce_max3A_70, %lt3A : f32
      %not3A = arith.constant true
      %not3A_72 = arith.xori %lt3A_71, %not3A : i1
      %convert_element_type3A_73 = arith.extui %not3A_72 : i1 to i32
      %cond3A = arith.constant 0 : i32
      %cond3A_74 = arith.cmpi ne, %convert_element_type3A_73, %cond3A : i32
      scf.if %cond3A_74 {
        %swap3A_77 = arith.constant 0 : index
        %swap3A_78 = arith.constant 0 : index
        %swap3A_79 = vector.load %arg8[%swap3A_77, %swap3A_78] : memref<2048x16xf32, #tpu.memory_space<vmem>>, vector<2048x16xf32>
        tpu.vector_store %arg8[%swap3A_77, %swap3A_78], %div3A_64 {strides = array<i32>} : memref<2048x16xf32, #tpu.memory_space<vmem>>, vector<2048x16xf32>,
      } else {
      }
      %add3A_75 = arith.constant 1 : i32
      %add3A_76 = arith.addi %while3A_48, %add3A_75 : i32
      scf.yield %add3A_76, %lt3A_71 : i32, i1
    }
    %get3A_35 = arith.constant 0 : index
    %get3A_36 = arith.constant 0 : index
    %get3A_37 = vector.load %arg8[%get3A_35, %get3A_36] : memref<2048x16xf32, #tpu.memory_space<vmem>>, vector<2048x16xf32>
    %reduce_max3A = arith.constant dense<0xFF800000> : vector<2048xf32>
    %reduce_max3A_38 = vector.multi_reduction <maximumf>, %get3A_37, %reduce_max3A [1] : vector<2048x16xf32> to vector<2048xf32>
    %broadcast_in_dim3A = vector.shape_cast %reduce_max3A_38 : vector<2048xf32> to vector<2048x1xf32>
    %iota3A_39 = tpu.iota {dimensions = array<i32: 1>} : vector<2048x16xi32>
    %eq3A_40 = vector.broadcast %broadcast_in_dim3A : vector<2048x1xf32> to vector<2048x16xf32>
    %eq3A_41 = arith.cmpf oeq, %get3A_37, %eq3A_40 : vector<2048x16xf32>
    %jit3A = arith.constant 16 : i32
    %broadcast_in_dim3A_42 = vector.broadcast %jit3A : i32 to vector<2048x16xi32>
    %select_n3A = arith.select %eq3A_41, %iota3A_39, %broadcast_in_dim3A_42 : vector<2048x16xi1>, vector<2048x16xi32>
    %reduce_min3A = arith.constant dense<2147483647> : vector<2048xi32>
    %reduce_min3A_43 = vector.multi_reduction <minsi>, %select_n3A, %reduce_min3A [1] : vector<2048x16xi32> to vector<2048xi32>
    %broadcast_in_dim3A_44 = vector.shape_cast %reduce_min3A_43 : vector<2048xi32> to vector<2048x1xi32>
    %swap3A_45 = arith.constant 0 : index
    %swap3A_46 = arith.constant 0 : index
    %swap3A_47 = vector.load %arg5[%swap3A_45, %swap3A_46] : memref<2048x1xi32, #tpu.memory_space<vmem>>, vector<2048x1xi32>
    tpu.vector_store %arg5[%swap3A_45, %swap3A_46], %broadcast_in_dim3A_44 {strides = array<i32>} : memref<2048x1xi32, #tpu.memory_space<vmem>>, vector<2048x1xi32>,
    return
  }
}

</mosaic_0001>

<sc_bundles>
// kernel: kernel.5.cloned.1.call-start
scs
__scs_entry_jumppad:
0x0: {  	(pc) =	sbr.rel $0x88, $3  }
0x1: {  	(tag) =	ssettag $0x0;
	lr =	simm.s32 $0x1  }
0x2: {  	[smem:$0x3F9E] =	sst lr;
	_ =	strace $0xD0000000  }
0x3: {  	_ = 	snop  }
0x4: {  	_ = 	snop  }
0x5: {  	_ = 	snop  }
0x6: {  	_ = 	snop  }
0x7: {  	_ = 	snop  }
__scs_overlays_trampoline_lowered:
0x8: {  	[smem:$0x3FAD] =	sst s0  }
0x9: {  	[smem:$0x3FAE] =	sst s1  }
0xa: {  	[smem:$0x3FAF] =	sst s2  }
0xb: {  	[smem:$0x3FB0] =	sst s3  }
0xc: {  	[smem:$0x3FB1] =	sst s4  }
0xd: {  	[smem:$0x3FB2] =	sst s5  }
0xe: {  	[smem:$0x3FB3] =	sst s6  }
0xf: {  	[smem:$0x3FB4] =	sst s7  }
0x10: {  	[smem:$0x3FB5] =	sst s8  }
0x11: {  	[smem:$0x3FB6] =	sst s9;
	s0 =	simm.s32 @!p0 $0x0  }
0x12: {  	s1 =	sld [smem:$0x3F9C];
	s0 =	simm.s32 @p0 $0x1  }
0x13: {  	[smem:$0x3FB7] =	sst s0;
	s0 =	simm.s32 @!p1 $0x0  }
0x14: {  	s2 =	sld [smem:$0x3F9B];
	s0 =	simm.s32 @p1 $0x1  }
0x15: {  	[smem:$0x3FB8] =	sst s0;
	s0 =	simm.s32 @!p2 $0x0  }
0x16: {  	s3 =	sld [smem:$0x3FDB];
	s0 =	simm.s32 @p2 $0x1  }
0x17: {  	s4 =	simm.s32 $0x1BF5;
	[smem:$0x3FBA] =	sst s0  }
0x18: {  	s0 =	sld [smem:$0x3F9D];
	_ =	swait.ge [sflag:s4], $0x0  }
0x19: {  	s7 =	sld [smem:$0x3F9E]  }
0x1a: {  	s8 =	sadd.s32 $0xFFFFE003, lr  }
0x1b: {  	s9 =	sadd.s32 $0xFFFFFEF7, lr;
	s5 =	simm.s32 $0xFFFFFFFF;
	p2 =	slt.u32 s8, $0xFFFFF086  }
0x1c: {  	p1 =	slt.u32 s9, $0xF7A;
	s5 =	simm.s32 @!p2 $0x0  }
0x1d: {  	s5 =	simm.s32 @p1 $0x1;
	p0 =	seq.s32 s7, s2  }
0x1e: {  	s7 =	smul.u32 @!p0 $0xF7A, s2;
	p2 =	seq.s32 @!p0 s5, $0x0  }
0x1f: {  	s9 =	smul.u32 $0xF7A, s1;
	s8 =	simm.s32 @!p0 $0x1BF5;
	p2 =	por !p2, p0  }
0x20: {  	[sflag:s8] =	ssyncset.s32 @!p0 $0xFFFFF086;
	s6 =	sadd.s32 @!p0 s3, s7;
	s7 =	simm.s32 @!p0 $0x108  }
0x21: {  	s3 =	sadd.s32 s3, s9;
	s6 =	sadd.s32 @!p0 $0x88, s6;
	s7 =	simm.s32 @p2 $0x1082  }
0x22: {  	[simem:s7], [sflag:s8] =	dma.local @!p0 [hbm:s6], $0xF7A  }
0x23: {  	s9 =	sor.u32 $0xD0000000, s2;
	s6 =	simm.s32 $0x108;
	_ =	swait.ge @!p0 [sflag:s8], $0x0  }
0x24: {  	s3 =	sadd.s32 $0x88, s3;
	s6 =	simm.s32 @!p1 $0x1082;
	[sflag:s4] =	ssyncset.s32 $0xFFFFF086  }
0x25: {  	[simem:s6], [sflag:s4] =	dma.local [hbm:s3], $0xF7A  }
0x26: {  	[smem:$0x3F9E] =	sst s1;
	(tag) =	ssettag s2;
	_ =	strace s9  }
0x27: {  	s1 =	sld [smem:$0x3FAE]  }
0x28: {  	s2 =	sld [smem:$0x3FAF]  }
0x29: {  	s4 =	sld [smem:$0x3FB1]  }
0x2a: {  	p0 =	seq.s32 s5, $0x0;
	s5 =	sld [smem:$0x3FB2]  }
0x2b: {  	s6 =	sld [smem:$0x3FB3]  }
0x2c: {  	s7 =	sld [smem:$0x3FB4]  }
0x2d: {  	s3 =	simm.s32 $0x108;
	s8 =	sld [smem:$0x3FB5]  }
0x2e: {  	s3 =	simm.s32 @!p0 $0x1082;
	s9 =	sld [smem:$0x3FB6]  }
0x2f: {  	lr =	sadd.s32 s0, s3;
	s0 =	sld [smem:$0x3FAD]  }
0x30: {  	s3 =	sld [smem:$0x3FB0]  }
0x31: {  	[smem:$0x3FB9] =	sst s10  }
0x32: {  	s10 =	sld [smem:$0x3FB7];
	_ =	sdelay $0x3  }
0x33: {  	p0 =	seq.s32 s10, $0x1;
	s10 =	sld [smem:$0x3FB9];
	_ =	sdelay $0x3  }
0x34: {  	[smem:$0x3FB9] =	sst s10  }
0x35: {  	s10 =	sld [smem:$0x3FB8];
	_ =	sdelay $0x3  }
0x36: {  	p1 =	seq.s32 s10, $0x1;
	s10 =	sld [smem:$0x3FB9];
	_ =	sdelay $0x3  }
0x37: {  	[smem:$0x3FB9] =	sst s10  }
0x38: {  	s10 =	sld [smem:$0x3FBA]  }
0x39: {  	_ = 	snop;
	(pc) =	sbr.ind lr, $3  }
0x3a: {  	_ = 	snop  }
0x3b: {  	_ = 	snop  }
0x3c: {  	p2 =	seq.s32 s10, $0x1;
	s10 =	sld [smem:$0x3FB9]  }
0x3d: {  	_ =	shalt  }
0x3e: {  	_ =	shalt  }
0x3f: {  	_ =	shalt  }
0x40: {  	_ =	shalt  }
0x41: {  	_ =	shalt  }
0x42: {  	_ =	shalt  }
0x43: {  	_ =	shalt  }
0x44: {  	_ =	shalt  }
0x45: {  	_ =	shalt  }
0x46: {  	_ =	shalt  }
0x47: {  	_ =	shalt  }
0x48: {  	_ =	shalt  }
0x49: {  	_ =	shalt  }
0x4a: {  	_ =	shalt  }
0x4b: {  	_ =	shalt  }
0x4c: {  	_ =	shalt  }
0x4d: {  	_ =	shalt  }
0x4e: {  	_ =	shalt  }
0x4f: {  	_ =	shalt  }
0x50: {  	_ =	shalt  }
0x51: {  	_ =	shalt  }
0x52: {  	_ =	shalt  }
0x53: {  	_ =	shalt  }
0x54: {  	_ =	shalt  }
0x55: {  	_ =	shalt  }
0x56: {  	_ =	shalt  }
0x57: {  	_ =	shalt  }
0x58: {  	_ =	shalt  }
0x59: {  	_ =	shalt  }
0x5a: {  	_ =	shalt  }
0x5b: {  	_ =	shalt  }
0x5c: {  	_ =	shalt  }
0x5d: {  	_ =	shalt  }
0x5e: {  	_ =	shalt  }
0x5f: {  	_ =	shalt  }
0x60: {  	_ =	shalt  }
0x61: {  	_ =	shalt  }
0x62: {  	_ =	shalt  }
0x63: {  	_ =	shalt  }
0x64: {  	_ =	shalt  }
0x65: {  	_ =	shalt  }
0x66: {  	_ =	shalt  }
0x67: {  	_ =	shalt  }
0x68: {  	_ =	shalt  }
0x69: {  	_ =	shalt  }
0x6a: {  	_ =	shalt  }
0x6b: {  	_ =	shalt  }
0x6c: {  	_ =	shalt  }
0x6d: {  	_ =	shalt  }
0x6e: {  	_ =	shalt  }
0x6f: {  	_ =	shalt  }
0x70: {  	_ =	shalt  }
0x71: {  	_ =	shalt  }
0x72: {  	_ =	shalt  }
0x73: {  	_ =	shalt  }
0x74: {  	_ =	shalt  }
0x75: {  	_ =	shalt  }
0x76: {  	_ =	shalt  }
0x77: {  	_ =	shalt  }
0x78: {  	_ =	shalt  }
0x79: {  	_ =	shalt  }
0x7a: {  	_ =	shalt  }
0x7b: {  	_ =	shalt  }
0x7c: {  	_ =	shalt  }
0x7d: {  	_ =	shalt  }
0x7e: {  	_ =	shalt  }
0x7f: {  	_ =	shalt  }
0x80: {  	_ =	shalt  }
0x81: {  	_ =	shalt  }
0x82: {  	_ =	shalt  }
0x83: {  	_ =	shalt  }
0x84: {  	_ =	shalt  }
0x85: {  	_ =	shalt  }
0x86: {  	_ =	shalt  }
0x87: {  	_ =	shalt  }
.Lfunc_end0:
.L_simem_size_0:
called_computation_lowered:
.L_overlay_start_0:
0x88: {  	s2 =	sld [smem:$0x3FD9]  }
0x89: {  	s3 =	sld [smem:$0x3FFE];
	_ =	sdelay $0x1  }
0x8a: {  	s1 =	srdreg.scid  }
0x8b: {  	s0 =	sand.u32 $0x1, s1  }
0x8c: {  	s16 =	sshll.u32 s0, $0xA;
	s2 =	sadd.s32 s3, s2  }
0x8d: {  	s2 =	sadd.s32 s2, s16  }
0x8e: {  	[smem:$0x3FC5] =	sst s2  }
0x8f: {  	_ = 	snop  }
0x90: {  	(tm) =	ssettm $0x1  }
0x91: {  	s17 =	sld [smem:$0x3FFB];
	_ =	sdelay $0x3  }
0x92: {  	_ =	strace s17  }
0x93: {  	s2 =	sld [smem:$0x3FFC];
	_ =	sdelay $0x3  }
0x94: {  	_ =	strace s2  }
0x95: {  	s2 =	sld [smem:$0x3FFD];
	_ =	sdelay $0x3  }
0x96: {  	_ =	strace s2  }
0x97: {  	_ =	strace $0x8FFFFFFF  }
0x98: {  	s18 =	sld [smem:$0x3FDB];
	_ =	sdelay $0x1  }
0x99: {  	s19 =	simm.s32 $_scs_section_size  }
0x9a: {  	s4 =	simm.s32 $_size__tile_overlayer_lowered;
	s5 =	simm.s32 $_tile_overlayer_lowered  }
0x9b: {  	s22 =	simm.s32 $0x1BFF;
	s21 =	sshll.u32 s5, $0x1;
	s2 =	sadd.s32 s19, s18  }
0x9c: {  	s6 =	simm.s32 $0x0;
	s20 =	sshll.u32 s4, $0x1;
	s4 =	sadd.s32 s21, s2  }
0x9d: {  	[timem:s6], [sflag:s22] =	dma.local [hbm:s4], s20  }
0x9e: {  	_ =	swait.ge [sflag:s22], s20  }
0x9f: {  	s3 =	ssub.s32 $0x0, s20;
	[sflag:s22] =	ssyncset.done $0x0  }
0xa0: {  	[sflag:s22] =	ssyncadd.s32 s3;
	_ =	sdelay $0x1  }
0xa1: {  	s23 =	simm.s32 $0x1B8B  }
0xa2: {  	_ =	swait.ge [sflag:s23], $0x1  }
0xa3: {  	[sflag:s23] =	ssyncset.done $0x0  }
0xa4: {  	s25 =	simm.s32 $0x1B8E;
	s24 =	sld [smem:$0x3FFE];
	[sflag:s23] =	ssyncadd.s32 $0xFFFFFFFF  }
0xa5: {  	s26 =	simm.s32 $execute0_lowered;
	[smem:$0x3FD2] =	sst s25  }
0xa6: {  	s4 =	sshll.u32 s26, $0x1;
	_ =	strace $0x80000046;
	[dreg:$0x1] =	wrdreg $0xFFFFFFFF  }
0xa7: {  	s28 =	simm.s32 $_size_execute0_lowered;
	s2 =	sadd.s32 s2, s4;
	[dreg:$0x0] =	wrdreg $0x0  }
0xa8: {  	s4 =	sshll.u32 s28, $0x1;
	[dreg:$0x2] =	wrdreg s2  }
0xa9: {  	[dreg:$0x3] =	wrdreg s4  }
0xaa: {  	[dreg:$0x4] =	wrdreg $0xC0  }
0xab: {  	_ =	task [dreg:s6], $0x5FFFF  }
0xac: {  	[dreg:$0x1] =	wrdreg $0xFFFFFFFF  }
0xad: {  	[dreg:$0x0] =	wrdreg $0x60  }
0xae: {  	[dreg:$0x2] =	wrdreg s24  }
0xaf: {  	[dreg:$0x3] =	wrdreg $0x9  }
0xb0: {  	_ =	task.clear_ibuf [dreg:s6], $0x4FFFF;
	_ =	strace $0x90000046  }
0xb1: {  	s29 =	simm.s32 $0x9;
	_ =	strace $0x80000048  }
0xb2: {  	_ =	swait.ge [sflag:s29], $0x1  }
0xb3: {  	[sflag:s29] =	ssyncadd.s32 $0xFFFFFFFF  }
0xb4: {  	_ =	strace $0x90000048  }
0xb5: {  	_ =	sfence  }
0xb6: {  	s30 =	sld [smem:$0x0];
	_ =	sdelay $0x2  }
0xb7: {  	s31 =	sshll.u32 s1, $0xD;
	s1 =	sshrl.u32 s1, $0x2  }
0xb8: {  	s3 =	sand.u32 $0x4000, s31;
	s1 =	sadd.s32 s1, s30  }
0xb9: {  	s0 =	sor.u32 s3, s0;
	s1 =	sshll.u32 s1, $0x11  }
0xba: {  	s0 =	sor.u32 s1, s0  }
0xbb: {  	s0 =	sadd.s32 $0x8F2B, s0  }
0xbc: {  	[sflag:s0] =	ssyncadd.remote.s32 $0x1  }
0xbd: {  	_ =	sfence.sel $0xFFFF  }
0xbe: {  	[dreg:$0x0] =	wrdreg $0xFFFFFFFF;
	(pc) =	sbr.abs _section_cstart, $3  }
0xbf: {  	[dreg:$0x1] =	wrdreg $0xFFFFFFFF  }
0xc0: {  	_ =	task.clear_ibuf [dreg:s6], $0x2FFFF;
	_ =	strace $0x9FFFFFFF  }
0xc1: {  	(tm) =	ssettm $0x7FFFFFFF  }
tec
execute0_lowered:
.L_overlay_start_1:
0x0: {  	(tag) =	ssettag $0x1  }
0x1: {  	s2 =	rddreg [dreg:$0x0]  }
0x2: {  	s0 =	rddreg [dreg:$0x1];
	s1 =	simm.s32 $0x0;
	s3 =	srdreg.scid  }
0x3: {  	s10 =	simm.s32 $0xFFFFFFFF;
	s9 =	simm.s32 $0x8000;
	s11 =	simm.s32 $0x8080  }
0x4: {  	s12 =	simm.s32 $0x0;
	[smem:$0x7FF] =	sst s1;
	s6 =	sand.u32 $0x1, s3  }
0x5: {  	s3 =	sadd.s32 $0x80E00, s2;
	s4 =	sadd.s32 $0xE00, s2;
	s5 =	sadd.s32 $0x100E00, s2  }
0x6: {  	s2 =	stileid.u32;
	_ =	strace $0x80000047;
	s7 =	ssub.s32 $0x2, s6  }
0x7: {  	s31 =	sshll.u32 s2, $0x7;
	s6 =	sshll.u32 s6, $0x6;
	s8 =	sshrl.u32 s7, $0x1  }
0x8: {  	v0 =	vlaneseq.u32;
	[dreg:$0x2] =	wrdreg s10;
	s10 =	simm.s32 $0x4000;
	s7 =	ssub.s32 s7, s8  }
0x9: {  	v1 =	vimm.f32 $0.0e+00;
	v2 =	vimm.f32 $3.000000010e+38;
	v3 =	vor.u32 $0x80000000, v0;
	s6 =	sor.u32 s6, s31;
	s8 =	simm.s32 $0x1;
	s7 =	smax.u32 s7, $0x1  }
.LBB2_1:
0xa: {  	s13 =	simm.s32 $0x0  }
.LBB2_2:
0xb: {  	s14 =	sshll.u32 s13, $0x3  }
0xc: {  	s14 =	sadd.s32 s6, s14  }
0xd: {  	s15 =	sshll.u32 s14, $0x8  }
0xe: {  	s16 =	simm.s32 $0x0;
	s17 =	sadd.s32 s3, s15  }
0xf: {  	[tilespmem:s16], [sflag:$0x1] =	stream.linear.gather [hbm4b:s17+s16], $0x4000, $0x38;
	[tilespmem:$0x8100] =	vst v63  }
0x10: {  	_ =	swait.ge [sflag:s8], $0x4000  }
0x11: {  	[sflag:s8] =	ssyncset.done $0x0  }
0x12: {  	s18 =	simm.s32 $0x0;
	s17 =	simm.s32 $0x40;
	[sflag:s8] =	ssyncadd.s32 $0xFFFFC000  }
.LBB2_3:
0x13: {  	p0 =	sne.s32 s17, $0xFFC0;
	[tilespmem:s18+$0x4000] =	vst v1;
	s18 =	smov.u32 s17;
	s17 =	sadd.s32 $0x40, s17  }
.Ltmp0:
0x14: {  	(pc) =	sbr.rel @p0 .LBB2_3-.Ltmp0, $2  }
0x15: {  	_ =	sdelay $0x2  }
0x16: {  	s18 =	sshra.s32 s18, $0x2  }
0x17: {  	[tilespmem:s18+$0x4000] =	vst v1  }
.LBB2_5:
0x18: {  	s20 =	simm.s32 $0x0  }
0x19: {  	s17 =	sshll.u32 s16, $0xB;
	s18 =	sand.u32 $0x780, s20  }
0x1a: {  	s19 =	sand.u32 $0x70, s20;
	s18 =	sadd.s32 s18, s17  }
0x1b: {  	s18 =	sadd.s32 s19, s18  }
0x1c: {  	v4 =	vld [tilespmem:s18+$0x0];
	_ =	sdelay $0x4  }
0x1d: {  	(xrf0) =	vmin.scan.msk.f32 $0xffff, v4;
	_ =	sdelay $0x3  }
0x1e: {  	v4 =	vmov s20;
	_ =	sdelay $0x1  }
0x1f: {  	s19 =	simm.s32 $0x10;
	v5, _, _ =	vpop (xrf0)  }
0x20: {  	s18 =	simm.s32 $0x1;
	s21 =	sand.u32 $0x780, s19;
	s20 =	simm.s32 $0x2;
	v5 =	vbroadcast v5, $0xF  }
.LBB2_6:
0x21: {  	p0 =	sne.s32 s20, $0x7F;
	s22 =	sand.u32 $0x70, s19;
	s21 =	sadd.s32 s21, s17  }
0x22: {  	s21 =	sadd.s32 s22, s21;
	[tilespmem:v4+s9+$0x0] =	vst.idx.msk $0x1, v5  }
0x23: {  	v4 =	vld [tilespmem:s21+$0x0];
	_ =	sdelay $0x4  }
0x24: {  	(xrf0) =	vmin.scan.msk.f32 $0xffff, v4;
	_ =	sdelay $0x2  }
.Ltmp1:
0x25: {  	(pc) =	sbr.rel @p0 .LBB2_6-.Ltmp1, $3  }
0x26: {  	v4 =	vmov s18;
	s18 =	smov.u32 s20;
	_ =	sdelay $0x1  }
0x27: {  	s19 =	sadd.s32 $0x10, s19;
	v5, _, _ =	vpop (xrf0)  }
0x28: {  	s21 =	sand.u32 $0x780, s19;
	s20 =	sadd.s32 $0x1, s20;
	v5 =	vbroadcast v5, $0xF  }
0x29: {  	_ =	sdelay $0x2  }
0x2a: {  	s19 =	sand.u32 $0x70, s19;
	s20 =	sadd.s32 s21, s17  }
0x2b: {  	s19 =	sadd.s32 s19, s20;
	[tilespmem:v4+s9+$0x0] =	vst.idx.msk $0x1, v5  }
0x2c: {  	v4 =	vld [tilespmem:s19+$0x0];
	_ =	sdelay $0x4  }
0x2d: {  	(xrf0) =	vmin.scan.msk.f32 $0xffff, v4;
	_ =	sdelay $0x3  }
0x2e: {  	v4 =	vmov s18;
	_ =	sdelay $0x1  }
0x2f: {  	v5, _, _ =	vpop (xrf0)  }
0x30: {  	v5 =	vbroadcast v5, $0xF;
	_ =	sdelay $0x1  }
0x31: {  	s18 =	simm.s32 $0xC;
	[tilespmem:v4+s9+$0x0] =	vst.idx.msk $0x1, v5  }
.LBB2_8:
0x32: {  	v5 =	vld [tilespmem:$0x8000]  }
0x33: {  	v6 =	vld [tilespmem:$0x8010]  }
0x34: {  	v7 =	vld [tilespmem:$0x8020]  }
0x35: {  	v8 =	vld [tilespmem:$0x8030]  }
0x36: {  	v9 =	vld [tilespmem:$0x8040]  }
0x37: {  	v10 =	vld [tilespmem:$0x8050];
	v4 =	vmin.f32 v5, $3.000000010e+38  }
0x38: {  	v11 =	vld [tilespmem:$0x8060];
	v4 =	vmin.f32 v4, v6  }
0x39: {  	v12 =	vld [tilespmem:$0x8070];
	v4 =	vmin.f32 v4, v7  }
0x3a: {  	v4 =	vmin.f32 v4, v8  }
0x3b: {  	v4 =	vmin.f32 v4, v9  }
0x3c: {  	v4 =	vmin.f32 v4, v10  }
0x3d: {  	v4 =	vmin.f32 v4, v11  }
0x3e: {  	v4 =	vmin.f32 v4, v12  }
0x3f: {  	(xrf0) =	vmin.scan.msk.f32 $0xffff, v4;
	_ =	sdelay $0x5  }
0x40: {  	v4, _, _ =	vpop (xrf0)  }
0x41: {  	v4 =	vbroadcast v4, $0xF;
	_ =	sdelay $0x1  }
0x42: {  	vm0 =	veq.f32 v5, v4  }
0x43: {  	vm8 =	veq.f32 v6, v4;
	v5 =	vnsel vm0, $0x80000010, v3  }
0x44: {  	(xrf0) =	vmin.scan.msk.u32 $0xffff, v5;
	v5 =	vnsel vm8, $0x80000010, v3  }
0x45: {  	(xrf0) =	vmin.scan.msk.u32 $0xffff, v5  }
0x46: {  	vm9 =	veq.f32 v7, v4  }
0x47: {  	v5 =	vnsel vm9, $0x80000010, v3  }
0x48: {  	(xrf0) =	vmin.scan.msk.u32 $0xffff, v5;
	_ =	sdelay $0x1  }
0x49: {  	vm10 =	veq.f32 v8, v4;
	v5, _, _ =	vpop (xrf0)  }
0x4a: {  	v6 =	vnsel vm10, $0x80000010, v3;
	(v2sf) =	vpush v5, $0xF;
	v5, _, _ =	vpop (xrf0)  }
0x4b: {  	(xrf0) =	vmin.scan.msk.u32 $0xffff, v6;
	(v2sf) =	vpush v5, $0xF;
	_ =	sdelay $0x1  }
0x4c: {  	vm11 =	veq.f32 v9, v4;
	v5, _, _ =	vpop (xrf0)  }
0x4d: {  	(v2sf) =	vpush v5, $0xF;
	v5 =	vnsel vm11, $0x80000010, v3  }
0x4e: {  	(xrf0) =	vmin.scan.msk.u32 $0xffff, v5;
	_ =	sdelay $0x1  }
0x4f: {  	vm12 =	veq.f32 v10, v4;
	v5, _, _ =	vpop (xrf0)  }
0x50: {  	(v2sf) =	vpush v5, $0xF;
	v5 =	vnsel vm12, $0x80000010, v3  }
0x51: {  	(xrf0) =	vmin.scan.msk.u32 $0xffff, v5;
	_ =	sdelay $0x1  }
0x52: {  	vm13 =	veq.f32 v11, v4;
	v5, _, _ =	vpop (xrf0)  }
0x53: {  	(v2sf) =	vpush v5, $0xF;
	v5 =	vnsel vm13, $0x80000010, v3  }
0x54: {  	(xrf0) =	vmin.scan.msk.u32 $0xffff, v5;
	_ =	sdelay $0x1  }
0x55: {  	vm14 =	veq.f32 v12, v4;
	v5, _, _ =	vpop (xrf0);
	s19 =	spop (v2sf)  }
0x56: {  	(v2sf) =	vpush v5, $0xF;
	v5 =	vnsel vm14, $0x80000010, v3;
	s20 =	spop (v2sf)  }
0x57: {  	s19 =	sxor.u32 $0x80000000, s19;
	(xrf0) =	vmin.scan.msk.u32 $0xffff, v5;
	s20 =	sxor.u32 $0x80000000, s20  }
0x58: {  	p0 =	sgt.s32 s19, $0xF;
	p1 =	slt.s32 s20, $0x10  }
0x59: {  	s22 =	spop (v2sf);
	v5, _, _ =	vpop (xrf0);
	p2 =	por !p0, !p1  }
0x5a: {  	s22 =	sxor.u32 $0x80000000, s22;
	p3 =	por !p0, !p0;
	(v2sf) =	vpush v5, $0xF;
	p2 =	por !p2, !p2  }
0x5b: {  	s21 =	rddreg [dreg:$0x2];
	p4 =	slt.s32 s22, $0x10;
	p3 =	por @!p2 p0, p0  }
0x5c: {  	s21 =	simm.s32 @!p0 $0x0;
	p3 =	por !p3, !p4  }
0x5d: {  	s21 =	simm.s32 @p2 $0x1;
	s23 =	spop (v2sf);
	v5, _, _ =	vpop (xrf0);
	p2 =	por !p3, !p3  }
0x5e: {  	s23 =	sxor.u32 $0x80000000, s23;
	(v2sf) =	vpush v5, $0xF;
	s21 =	simm.s32 @p2 $0x2  }
0x5f: {  	p5 =	slt.s32 s23, $0x10;
	p4 =	slt.s32 s21, $0x0  }
0x60: {  	p3 =	por !p4, !p5  }
0x61: {  	s24 =	spop (v2sf);
	p3 =	por !p3, !p3  }
0x62: {  	s24 =	sxor.u32 $0x80000000, s24;
	s21 =	simm.s32 @p3 $0x3  }
0x63: {  	p5 =	slt.s32 s24, $0x10;
	p6 =	slt.s32 s21, $0x0  }
0x64: {  	p4 =	por !p6, !p5  }
0x65: {  	s25 =	spop (v2sf);
	p4 =	por !p4, !p4  }
0x66: {  	s25 =	sxor.u32 $0x80000000, s25;
	s21 =	simm.s32 @p4 $0x4  }
0x67: {  	p6 =	slt.s32 s25, $0x10;
	p5 =	slt.s32 s21, $0x0  }
0x68: {  	p5 =	por !p5, !p6  }
0x69: {  	s26 =	spop (v2sf);
	p5 =	por !p5, !p5  }
0x6a: {  	s26 =	sxor.u32 $0x80000000, s26;
	s21 =	simm.s32 @p5 $0x5  }
0x6b: {  	s20 =	simm.s32 @!p1 $0x0;
	p6 =	slt.s32 s26, $0x10;
	p1 =	slt.s32 s21, $0x0  }
0x6c: {  	s19 =	smov.u32 @p0 s20;
	p1 =	por !p1, !p6  }
0x6d: {  	s19 =	smov.u32 @p2 s22;
	s29 =	spop (v2sf);
	p0 =	por !p1, !p1  }
0x6e: {  	s19 =	smov.u32 @p3 s23;
	s20 =	sxor.u32 $0x80000000, s29;
	s21 =	simm.s32 @p0 $0x6  }
0x6f: {  	s19 =	smov.u32 @p4 s24;
	p6 =	slt.s32 s20, $0x10;
	p4 =	slt.s32 s21, $0x0  }
0x70: {  	s19 =	smov.u32 @p5 s25;
	p1 =	por !p4, !p6  }
0x71: {  	s19 =	smov.u32 @p0 s26;
	s21 =	sshll.u32 s21, $0x4;
	p0 =	por !p1, !p1  }
0x72: {  	s19 =	smov.u32 @p0 s20;
	s21 =	simm.s32 @p0 $0x70  }
0x73: {  	s19 =	sadd.s32 s19, s21  }
0x74: {  	s30 =	sshll.u32 s19, $0x4  }
0x75: {  	s20 =	sadd.s32 s17, s30  }
0x76: {  	v5 =	vor.u32 s20, v0;
	_ =	sdelay $0x4  }
0x77: {  	v6 =	vld.idx.msk [tilespmem:v5+s1+$0x0], $0xffff;
	_ =	sdelay $0x4  }
0x78: {  	vm15 =	veq.f32 v6, v4  }
0x79: {  	v6 =	vnsel vm15, $0x80000010, v3  }
0x7a: {  	(xrf0) =	vmin.scan.msk.u32 $0xffff, v6;
	_ =	sdelay $0x5  }
0x7b: {  	v6, _, _ =	vpop (xrf0)  }
0x7c: {  	(v2sf) =	vpush v6, $0xF;
	_ =	sdelay $0xe  }
0x7d: {  	s31 =	spop (v2sf)  }
0x7e: {  	s20 =	sadd.s32 s31, s20  }
0x7f: {  	s20 =	sadd.s32 $0x80000000, s20  }
0x80: {  	v6 =	vmov s20;
	_ =	sdelay $0x4  }
0x81: {  	[tilespmem:v6+s1+$0x0] =	vst.idx.msk $0x1, v2  }
0x82: {  	v5 =	vld.idx.msk [tilespmem:v5+s1+$0x0], $0xffff;
	_ =	sdelay $0x4  }
0x83: {  	(xrf0) =	vmin.scan.msk.f32 $0xffff, v5;
	_ =	sdelay $0x3  }
0x84: {  	p0 =	seq.s32 s18, $0xC;
	s18 =	sadd.s32 $0xFFFFFFFF, s18;
	v5 =	vmov s19  }
0x85: {  	p1 =	sne.s32 s18, $0x0  }
.Ltmp2:
0x86: {  	v7, _, _ =	vpop (xrf0);
	(pc) =	sbr.rel @p1 .LBB2_8-.Ltmp2, $3  }
0x87: {  	v7 =	vbroadcast v7, $0xF;
	_ =	sdelay $0x1  }
0x88: {  	s19 =	simm.s32 @!p0 $0x4000;
	[tilespmem:v5+s9+$0x0] =	vst.idx.msk $0x1, v7  }
0x89: {  	[tilespmem:v6+s19+$0x0] =	vst.idx.msk @!p0 $0x1, v4  }
0x8a: {  	s17 =	sshll.u32 s16, $0x4;
	s16 =	sadd.s32 $0x1, s16  }
0x8b: {  	p0 =	sne.s32 s16, $0x8  }
.Ltmp3:
0x8c: {  	_ = 	snop;
	(pc) =	sbr.rel @p0 .LBB2_5-.Ltmp3, $4  }
0x8d: {  	_ = 	snop  }
0x8e: {  	v4 =	vadd.f32 $9.999999930e-09, v4  }
0x8f: {  	s17 =	sand.u32 $0x3FFFFFF0, s17  }
0x90: {  	[tilespmem:s17+$0x8080] =	vst v4  }
0x91: {  	s15 =	sadd.s32 s4, s15  }
0x92: {  	[hbm4b:s15+s1] =	stream.linear.scatter [tilespmem:s10], [sflag:$0x1], $0x4000, $0x38;
	[tilespmem:$0x8100] =	vst v63  }
0x93: {  	s13 =	sadd.s32 $0x1, s13;
	_ =	swait.ge [sflag:s8], $0x4000  }
0x94: {  	s14 =	sshll.u32 s14, $0x1;
	p0 =	sne.s32 s13, $0x8;
	[sflag:s8] =	ssyncset.done $0x0  }
.Ltmp4:
0x95: {  	s14 =	sadd.s32 s5, s14;
	[sflag:s8] =	ssyncadd.s32 $0xFFFFC000;
	(pc) =	sbr.rel @p0 .LBB2_2-.Ltmp4, $4  }
0x96: {  	[hbm4b:s14+s1] =	stream.linear.scatter [tilespmem:s11], [sflag:$0x1], $0x80, $0x38;
	[tilespmem:$0x8100] =	vst v63  }
0x97: {  	_ =	swait.ge [sflag:s8], $0x80  }
0x98: {  	[sflag:s8] =	ssyncset.done $0x0  }
0x99: {  	[sflag:s8] =	ssyncadd.s32 $0xFFFFFF80  }
0x9a: {  	s12 =	sadd.s32 $0x1, s12  }
0x9b: {  	p0 =	sne.s32 s12, s7  }
.Ltmp5:
0x9c: {  	_ = 	snop;
	(pc) =	sbr.rel @p0 .LBB2_1-.Ltmp5, $1  }
0x9d: {  	_ =	sdelay $0x3  }
0x9e: {  	_ =	sfence.sel $0x180000  }
0x9f: {  	[bflag:$0x0] =	sbarrier.arrive $0xFFFF  }
0xa0: {  	p0 =	sne.s32 s2, $0x0;
	_ =	strace $0x90000047  }
0xa1: {  	s0 =	sadd.s32 @!p0 $0x100000, s0;
	[bflag:$0x2] =	sbarrier.arrive $0xFFFF  }
0xa2: {  	[sflag:s0] =	ssyncadd.tile.s32 @!p0 $0x1;
	_ =	shalt  }
.Lfunc_end2:
_tile_overlayer_lowered:
.L_overlay_start_2:
0xa3: {  	(tag) =	ssettag $0x2  }
0xa4: {  	s0 =	rddreg [dreg:$0x0];
	s2 =	stileid.u32  }
0xa5: {  	s1 =	rddreg [dreg:$0x1];
	p0 =	sne.s32 s2, $0x0  }
0xa6: {  	s3 =	rddreg [dreg:$0x2];
	[bflag:$0x3] =	sbarrier.arrive $0xFFFF;
	s2 =	simm.s32 @!p0 $0x1C01  }
0xa7: {  	[timem:s3], [sflag:s2] =	dma.local @!p0 [hbm:s0], s1  }
0xa8: {  	s0 =	simm.s32 @!p0 $0x1  }
0xa9: {  	_ =	swait.ge @!p0 [sflag:s0], s1  }
0xaa: {  	s1 =	ssub.s32 @!p0 $0x0, s1;
	[sflag:s0] =	ssyncset.done @!p0 $0x0  }
0xab: {  	[sflag:s0] =	ssyncadd.s32 @!p0 s1  }
0xac: {  	[bflag:$0x3] =	sbarrier.arrive $0xFFFF  }
0xad: {  	_ =	shalt  }

</sc_bundles>
